<compile_context>
chip_gen: v7x
topology: tpu7x:2x2x1
jax: 0.10.2.dev20260603
libtpu: 0.0.44.dev20260713+nightly
codegen_flags: <defaults>
</compile_context>

<pallas_src>
import functools

import jax
import jax.numpy as jnp
from jax import lax
from jax.experimental import pallas as pl
from jax.experimental.pallas import tpu as pltpu
from jax.experimental.pallas import tpu_sc as plsc

N = 10000
E = 160000
D_IN = 256
D_H = 256
D_OUT = 64

CHUNK = 128
E_PAD = 163840
ACC_ROWS = 10240
NC, NS = 2, 16
ROWS_PER_TILE_OUT = N // NS

_mesh = plsc.VectorSubcoreMesh(core_axis_name="c", subcore_axis_name="s")


def _zero_fill(buf, ncols):
    z = jnp.zeros((16,), jnp.float32)

    @pl.loop(0, 128)
    def _(i):
        for k in range(ncols // 16):
            buf[i, pl.ds(k * 16, 16)] = z


def _deg_body(dst_hbm, deg_hbm, ones_v, dst_i, acc):
    c = lax.axis_index("c")
    s = lax.axis_index("s")
    wid = c * NS + s

    _zero_fill(ones_v, 128)
    for k in range(ACC_ROWS // NS // 128):
        pltpu.sync_copy(ones_v, acc.at[pl.ds(s * (ACC_ROWS // NS) + k * 128, 128)])

    one = jnp.ones((16,), jnp.float32)

    @pl.loop(0, 128)
    def _(i):
        for k in range(8):
            ones_v[i, pl.ds(k * 16, 16)] = one

    n_chunks = E_PAD // (NC * NS) // CHUNK
    pltpu.sync_copy(dst_hbm.at[wid], dst_i)
    plsc.subcore_barrier()

    @pl.loop(0, n_chunks)
    def _(j):
        pltpu.sync_copy(ones_v, acc.at[dst_i.at[j]], add=True)

    plsc.subcore_barrier()
    stripe = ACC_ROWS // NS
    pltpu.sync_copy(acc.at[pl.ds(s * stripe, stripe)],
                    deg_hbm.at[pl.ds(c * ACC_ROWS + s * stripe, stripe)])


_deg_call = pl.kernel(
    _deg_body,
    out_type=jax.ShapeDtypeStruct((NC * ACC_ROWS, 128), jnp.float32),
    mesh=_mesh,
    scratch_types=[
        pltpu.VMEM((CHUNK, 128), jnp.float32),
        pltpu.VMEM((E_PAD // (NC * NS) // CHUNK, CHUNK), jnp.int32),
        pltpu.VMEM_SHARED((ACC_ROWS, 128), jnp.float32),
    ],
)


def _agg256_body(srcs_hbm, dst_hbm, tab_hbm, out_hbm, src_i, dst_i,
                 rows_v, acc):
    c = lax.axis_index("c")
    s = lax.axis_index("s")

    _zero_fill(rows_v, 128)
    for k in range(ACC_ROWS // NS // 128):
        pltpu.sync_copy(rows_v, acc.at[pl.ds(s * (ACC_ROWS // NS) + k * 128, 128)])

    n_chunks = E_PAD // NS // CHUNK
    pltpu.sync_copy(srcs_hbm.at[c * NS + s], src_i)
    pltpu.sync_copy(dst_hbm.at[s], dst_i)
    plsc.subcore_barrier()

    @pl.loop(0, n_chunks)
    def _(j):
        pltpu.sync_copy(tab_hbm.at[src_i.at[j]], rows_v)
        pltpu.sync_copy(rows_v, acc.at[dst_i.at[j]], add=True)

    plsc.subcore_barrier()
    stripe = ACC_ROWS // NS
    pltpu.sync_copy(acc.at[pl.ds(s * stripe, stripe)],
                    out_hbm.at[pl.ds(c * ACC_ROWS + s * stripe, stripe)])


_agg256_call = pl.kernel(
    _agg256_body,
    out_type=jax.ShapeDtypeStruct((NC * ACC_ROWS, 128), jnp.float32),
    mesh=_mesh,
    scratch_types=[
        pltpu.VMEM((E_PAD // NS // CHUNK, CHUNK), jnp.int32),
        pltpu.VMEM((E_PAD // NS // CHUNK, CHUNK), jnp.int32),
        pltpu.VMEM((CHUNK, 128), jnp.float32),
        pltpu.VMEM_SHARED((ACC_ROWS, 128), jnp.float32),
    ],
)


def _agg64_body(src_hbm, dst_hbm, tab_hbm, out_hbm, src_i, dst_i,
                rows_v, acc):
    c = lax.axis_index("c")
    s = lax.axis_index("s")
    wid = c * NS + s

    _zero_fill(rows_v, 128)
    for k in range(ACC_ROWS // NS // 128):
        pltpu.sync_copy(rows_v, acc.at[pl.ds(s * (ACC_ROWS // NS) + k * 128, 128)])

    n_chunks = E_PAD // (NC * NS) // CHUNK
    pltpu.sync_copy(src_hbm.at[wid], src_i)
    pltpu.sync_copy(dst_hbm.at[wid], dst_i)
    plsc.subcore_barrier()

    @pl.loop(0, n_chunks)
    def _(j):
        pltpu.sync_copy(tab_hbm.at[src_i.at[j]], rows_v)
        pltpu.sync_copy(rows_v, acc.at[dst_i.at[j]], add=True)

    plsc.subcore_barrier()
    stripe = ACC_ROWS // NS
    pltpu.sync_copy(acc.at[pl.ds(s * stripe, stripe)],
                    out_hbm.at[pl.ds(c * ACC_ROWS + s * stripe, stripe)])


_agg64_call = pl.kernel(
    _agg64_body,
    out_type=jax.ShapeDtypeStruct((NC * ACC_ROWS, 128), jnp.float32),
    mesh=_mesh,
    scratch_types=[
        pltpu.VMEM((E_PAD // (NC * NS) // CHUNK, CHUNK), jnp.int32),
        pltpu.VMEM((E_PAD // (NC * NS) // CHUNK, CHUNK), jnp.int32),
        pltpu.VMEM((CHUNK, 128), jnp.float32),
        pltpu.VMEM_SHARED((ACC_ROWS, 128), jnp.float32),
    ],
)


BN = 1000


def _dinv_from_parts(degp):
    deg = degp[0, :, 0:1] + degp[1, :, 0:1] + 1.0
    return lax.rsqrt(deg)


def _tc_a_body(x_ref, w1_ref, degp_ref, hs_ref):
    dinv = _dinv_from_parts(degp_ref[...])
    h = jnp.dot(x_ref[...], w1_ref[...], preferred_element_type=jnp.float32)
    h = h * dinv
    hs_ref[0, :, :] = h[:, :128]
    hs_ref[1, :, :] = h[:, 128:]


_tc_a = pl.pallas_call(
    _tc_a_body,
    grid=(N // BN,),
    in_specs=[
        pl.BlockSpec((BN, D_IN), lambda i: (i, 0)),
        pl.BlockSpec((D_IN, D_H), lambda i: (0, 0)),
        pl.BlockSpec((2, BN, 128), lambda i: (0, i, 0)),
    ],
    out_specs=pl.BlockSpec((2, BN, 128), lambda i: (0, i, 0)),
    out_shape=jax.ShapeDtypeStruct((2, N, 128), jnp.float32),
)


def _tc_b_body(s1_ref, hs_ref, degp_ref, b1_ref, w2_ref, zp_ref):
    dinv = _dinv_from_parts(degp_ref[...])
    s = jnp.concatenate([s1_ref[0] + hs_ref[0], s1_ref[1] + hs_ref[1]], axis=1)
    pre = s * dinv + b1_ref[...]
    r = jnp.maximum(pre, 0.0)
    z = jnp.dot(r, w2_ref[...], preferred_element_type=jnp.float32)
    zp = z * dinv
    zp_ref[...] = jnp.concatenate(
        [zp, jnp.zeros((zp.shape[0], 128 - D_OUT), jnp.float32)], axis=1)


_tc_b = pl.pallas_call(
    _tc_b_body,
    grid=(N // BN,),
    in_specs=[
        pl.BlockSpec((2, BN, 128), lambda i: (0, i, 0)),
        pl.BlockSpec((2, BN, 128), lambda i: (0, i, 0)),
        pl.BlockSpec((2, BN, 128), lambda i: (0, i, 0)),
        pl.BlockSpec((1, D_H), lambda i: (0, 0)),
        pl.BlockSpec((D_H, D_OUT), lambda i: (0, 0)),
    ],
    out_specs=pl.BlockSpec((BN, 128), lambda i: (i, 0)),
    out_shape=jax.ShapeDtypeStruct((N, 128), jnp.float32),
)


def _tc_c_body(s2_ref, zp_ref, degp_ref, b2_ref, out_ref):
    dinv = _dinv_from_parts(degp_ref[...])
    pre = ((s2_ref[0, :, :D_OUT] + s2_ref[1, :, :D_OUT] + zp_ref[:, :D_OUT])
           * dinv + b2_ref[...])
    m = jnp.max(pre, axis=1, keepdims=True)
    e = pre - m
    out_ref[...] = e - jnp.log(jnp.sum(jnp.exp(e), axis=1, keepdims=True))


_tc_c = pl.pallas_call(
    _tc_c_body,
    grid=(N // BN,),
    in_specs=[
        pl.BlockSpec((2, BN, 128), lambda i: (0, i, 0)),
        pl.BlockSpec((BN, 128), lambda i: (i, 0)),
        pl.BlockSpec((2, BN, 128), lambda i: (0, i, 0)),
        pl.BlockSpec((1, D_OUT), lambda i: (0, 0)),
    ],
    out_specs=pl.BlockSpec((BN, D_OUT), lambda i: (i, 0)),
    out_shape=jax.ShapeDtypeStruct((N, D_OUT), jnp.float32),
)


@jax.jit
def kernel(x, edge_index, W1, b1, W2, b2):
    src = edge_index[0]
    dst = edge_index[1]
    pad = E_PAD - E
    src_p = jnp.concatenate([src, jnp.zeros((pad,), jnp.int32)])
    dst_p = jnp.concatenate([dst, jnp.full((pad,), N, jnp.int32)])
    src_r32 = src_p.reshape(NC * NS, E_PAD // (NC * NS) // CHUNK, CHUNK)
    dst_r32 = dst_p.reshape(NC * NS, E_PAD // (NC * NS) // CHUNK, CHUNK)
    dst_r16 = dst_p.reshape(NS, E_PAD // NS // CHUNK, CHUNK)
    srcs2 = jnp.concatenate([src_p, src_p + N]).reshape(
        NC * NS, E_PAD // NS // CHUNK, CHUNK)

    degp = _deg_call(dst_r32).reshape(2, ACC_ROWS, 128)
    hs = _tc_a(x, W1, degp)
    s1 = _agg256_call(srcs2, dst_r16, hs.reshape(2 * N, 128)).reshape(
        2, ACC_ROWS, 128)
    zp = _tc_b(s1, hs, degp, b1.reshape(1, D_H), W2)
    s2 = _agg64_call(src_r32, dst_r32, zp).reshape(2, ACC_ROWS, 128)
    return _tc_c(s2, zp, degp, b2.reshape(1, D_OUT))

# --- scband reference (transcript-rebuilt; emitter-appended) ---
"""Pipeline reference for scband-gcnnet-23648089931787 (READ-ONLY COPY).

The authoritative reference and input builder live on the scoring server;
editing this copy changes nothing except your own understanding.
"""

import jax, jax.numpy as jnp
import numpy as np

N = 10000
E = 160000
D_IN = 256
D_H = 256
D_OUT = 64


def setup_inputs(seed: int = 0) -> dict:
    key = jax.random.key(seed)
    k1, k2, k3, k4, k5, k6 = jax.random.split(key, 6)
    x = jax.random.normal(k1, (N, D_IN), dtype=jnp.float32)
    edge_index = jax.random.randint(k2, (2, E), 0, N, dtype=jnp.int32)
    W1 = jax.random.normal(k3, (D_IN, D_H), dtype=jnp.float32) * (1.0 / np.sqrt(D_IN))
    b1 = jnp.zeros((D_H,), dtype=jnp.float32)
    W2 = jax.random.normal(k4, (D_H, D_OUT), dtype=jnp.float32) * (1.0 / np.sqrt(D_H))
    b2 = jnp.zeros((D_OUT,), dtype=jnp.float32)
    return {"x": x, "edge_index": edge_index, "W1": W1, "b1": b1, "W2": W2, "b2": b2}


def _gcn_conv(x, edge_index, W, b):
    # GCNConv: add self-loops, symmetric D^-1/2 (A+I) D^-1/2 normalization
    src = edge_index[0]
    dst = edge_index[1]
    loop = jnp.arange(N, dtype=src.dtype)
    src = jnp.concatenate([src, loop])
    dst = jnp.concatenate([dst, loop])
    deg = jnp.zeros((N,), dtype=x.dtype).at[dst].add(1.0)
    dinv = jnp.where(deg > 0, 1.0 / jnp.sqrt(deg), 0.0)
    norm = dinv[src] * dinv[dst]
    h = x @ W
    msg = h[src] * norm[:, None]
    out = jax.ops.segment_sum(msg, dst, num_segments=N)
    return out + b


def reference(x, edge_index, W1, b1, W2, b2):
    h = _gcn_conv(x, edge_index, W1, b1)
    h = jax.nn.relu(h)
    # dropout is identity in eval / deterministic reference
    h = _gcn_conv(h, edge_index, W2, b2)
    return jax.nn.log_softmax(h, axis=1)

if __name__ == "__main__":
    import jax
    _d = setup_inputs()
    print(jax.jit(kernel)(*tuple(_d.values())))

</pallas_src>

<mosaic_0001>
#map = affine_map<(d0, d1) -> (0, 0, 0)>
#map1 = affine_map<(d0, d1) -> (0, 0)>
module attributes {stable_mosaic.version = 14 : i64} {
  func.func @_agg256_body(%arg0: i32, %arg1: i32, %arg2: memref<32x80x128xi32, #tpu.memory_space<hbm>>, %arg3: memref<16x80x128xi32, #tpu.memory_space<hbm>>, %arg4: memref<20000x128xf32, #tpu.memory_space<hbm>>, %arg5: memref<20480x128xf32, #tpu.memory_space<hbm>>, %arg6: memref<80x128xi32, #tpu.memory_space<vmem>>, %arg7: memref<80x128xi32, #tpu.memory_space<vmem>>, %arg8: memref<128x128xf32, #tpu.memory_space<vmem>>, %arg9: memref<10240x128xf32, #tpu.memory_space<vmem_shared>>) attributes {dimension_semantics = [#tpu.dimension_semantics<core_parallel>, #tpu.dimension_semantics<subcore_parallel>], iteration_bounds = array<i64: 2, 16>, scalar_prefetch = 0 : i64, scratch_operands = 4 : i64, tpu.core_type = #tpu.core_type<sc_vector_subcore>, window_params = [{transform_indices = #map}, {transform_indices = #map}, {transform_indices = #map1}, {transform_indices = #map1}]} {
    %broadcast_in_dim3A = arith.constant 0.000000e+00 : f32
    %broadcast_in_dim3A_0 = vector.broadcast %broadcast_in_dim3A : f32 to vector<16xf32>
    %scan3A = arith.constant 0 : i32
    %scan3A_1 = arith.constant 128 : i32
    %scan3A_2 = arith.addi %scan3A, %scan3A_1 : i32
    %scan3A_3 = arith.constant 1 : i32
    scf.for %scan3A_39 = %scan3A to %scan3A_2 step %scan3A_3  : i32 {
      %mul3A_40 = arith.constant 1 : i32
      %mul3A_41 = arith.muli %scan3A_39, %mul3A_40 : i32
      %add3A_42 = arith.constant 0 : i32
      %add3A_43 = arith.addi %add3A_42, %mul3A_41 : i32
      %swap3A = arith.index_cast %add3A_43 : i32 to index
      %swap3A_44 = arith.constant 0 : index
      %swap3A_45 = tpu.vector_load %arg8[%swap3A, %swap3A_44] {strides = array<i32>} : memref<128x128xf32, #tpu.memory_space<vmem>>, vector<1x16xf32>,
      %swap3A_46 = vector.shape_cast %swap3A_45 : vector<1x16xf32> to vector<16xf32>
      %swap3A_47 = vector.shape_cast %broadcast_in_dim3A_0 : vector<16xf32> to vector<1x16xf32>
      tpu.vector_store %arg8[%swap3A, %swap3A_44], %swap3A_47 {strides = array<i32>} : memref<128x128xf32, #tpu.memory_space<vmem>>, vector<1x16xf32>,
      %swap3A_48 = arith.index_cast %add3A_43 : i32 to index
      %swap3A_49 = arith.constant 16 : index
      %swap3A_50 = tpu.vector_load %arg8[%swap3A_48, %swap3A_49] {strides = array<i32>} : memref<128x128xf32, #tpu.memory_space<vmem>>, vector<1x16xf32>,
      %swap3A_51 = vector.shape_cast %swap3A_50 : vector<1x16xf32> to vector<16xf32>
      %swap3A_52 = vector.shape_cast %broadcast_in_dim3A_0 : vector<16xf32> to vector<1x16xf32>
      tpu.vector_store %arg8[%swap3A_48, %swap3A_49], %swap3A_52 {strides = array<i32>} : memref<128x128xf32, #tpu.memory_space<vmem>>, vector<1x16xf32>,
      %swap3A_53 = arith.index_cast %add3A_43 : i32 to index
      %swap3A_54 = arith.constant 32 : index
      %swap3A_55 = tpu.vector_load %arg8[%swap3A_53, %swap3A_54] {strides = array<i32>} : memref<128x128xf32, #tpu.memory_space<vmem>>, vector<1x16xf32>,
      %swap3A_56 = vector.shape_cast %swap3A_55 : vector<1x16xf32> to vector<16xf32>
      %swap3A_57 = vector.shape_cast %broadcast_in_dim3A_0 : vector<16xf32> to vector<1x16xf32>
      tpu.vector_store %arg8[%swap3A_53, %swap3A_54], %swap3A_57 {strides = array<i32>} : memref<128x128xf32, #tpu.memory_space<vmem>>, vector<1x16xf32>,
      %swap3A_58 = arith.index_cast %add3A_43 : i32 to index
      %swap3A_59 = arith.constant 48 : index
      %swap3A_60 = tpu.vector_load %arg8[%swap3A_58, %swap3A_59] {strides = array<i32>} : memref<128x128xf32, #tpu.memory_space<vmem>>, vector<1x16xf32>,
      %swap3A_61 = vector.shape_cast %swap3A_60 : vector<1x16xf32> to vector<16xf32>
      %swap3A_62 = vector.shape_cast %broadcast_in_dim3A_0 : vector<16xf32> to vector<1x16xf32>
      tpu.vector_store %arg8[%swap3A_58, %swap3A_59], %swap3A_62 {strides = array<i32>} : memref<128x128xf32, #tpu.memory_space<vmem>>, vector<1x16xf32>,
      %swap3A_63 = arith.index_cast %add3A_43 : i32 to index
      %swap3A_64 = arith.constant 64 : index
      %swap3A_65 = tpu.vector_load %arg8[%swap3A_63, %swap3A_64] {strides = array<i32>} : memref<128x128xf32, #tpu.memory_space<vmem>>, vector<1x16xf32>,
      %swap3A_66 = vector.shape_cast %swap3A_65 : vector<1x16xf32> to vector<16xf32>
      %swap3A_67 = vector.shape_cast %broadcast_in_dim3A_0 : vector<16xf32> to vector<1x16xf32>
      tpu.vector_store %arg8[%swap3A_63, %swap3A_64], %swap3A_67 {strides = array<i32>} : memref<128x128xf32, #tpu.memory_space<vmem>>, vector<1x16xf32>,
      %swap3A_68 = arith.index_cast %add3A_43 : i32 to index
      %swap3A_69 = arith.constant 80 : index
      %swap3A_70 = tpu.vector_load %arg8[%swap3A_68, %swap3A_69] {strides = array<i32>} : memref<128x128xf32, #tpu.memory_space<vmem>>, vector<1x16xf32>,
      %swap3A_71 = vector.shape_cast %swap3A_70 : vector<1x16xf32> to vector<16xf32>
      %swap3A_72 = vector.shape_cast %broadcast_in_dim3A_0 : vector<16xf32> to vector<1x16xf32>
      tpu.vector_store %arg8[%swap3A_68, %swap3A_69], %swap3A_72 {strides = array<i32>} : memref<128x128xf32, #tpu.memory_space<vmem>>, vector<1x16xf32>,
      %swap3A_73 = arith.index_cast %add3A_43 : i32 to index
      %swap3A_74 = arith.constant 96 : index
      %swap3A_75 = tpu.vector_load %arg8[%swap3A_73, %swap3A_74] {strides = array<i32>} : memref<128x128xf32, #tpu.memory_space<vmem>>, vector<1x16xf32>,
      %swap3A_76 = vector.shape_cast %swap3A_75 : vector<1x16xf32> to vector<16xf32>
      %swap3A_77 = vector.shape_cast %broadcast_in_dim3A_0 : vector<16xf32> to vector<1x16xf32>
      tpu.vector_store %arg8[%swap3A_73, %swap3A_74], %swap3A_77 {strides = array<i32>} : memref<128x128xf32, #tpu.memory_space<vmem>>, vector<1x16xf32>,
      %swap3A_78 = arith.index_cast %add3A_43 : i32 to index
      %swap3A_79 = arith.constant 112 : index
      %swap3A_80 = tpu.vector_load %arg8[%swap3A_78, %swap3A_79] {strides = array<i32>} : memref<128x128xf32, #tpu.memory_space<vmem>>, vector<1x16xf32>,
      %swap3A_81 = vector.shape_cast %swap3A_80 : vector<1x16xf32> to vector<16xf32>
      %swap3A_82 = vector.shape_cast %broadcast_in_dim3A_0 : vector<16xf32> to vector<1x16xf32>
      tpu.vector_store %arg8[%swap3A_78, %swap3A_79], %swap3A_82 {strides = array<i32>} : memref<128x128xf32, #tpu.memory_space<vmem>>, vector<1x16xf32>,
    }
    %scan3A_4 = arith.constant 128 : i32
    %mul3A = arith.constant 640 : i32
    %mul3A_5 = arith.muli %arg1, %mul3A : i32
    %add3A = arith.constant 0 : i32
    %add3A_6 = arith.addi %mul3A_5, %add3A : i32
    "tpu.region"() ({
      %run_scoped3A = tpu.sem_alloc : memref<!tpu.dma_semaphore, #tpu.memory_space<semaphore_mem>>
      %dma_start3A = arith.constant 0 : i32
      %dma_start3A_39 = tpu.memref_slice %arg9[%add3A_6, %dma_start3A] : memref<10240x128xf32, #tpu.memory_space<vmem_shared>> -> memref<128x128xf32, #tpu.memory_space<vmem_shared>>
      %dma_start3A_40 = arith.constant 0 : i32
      %dma_start3A_41 = tpu.memref_slice %arg9[%add3A_6, %dma_start3A_40] : memref<10240x128xf32, #tpu.memory_space<vmem_shared>> -> memref<128x128xf32, #tpu.memory_space<vmem_shared>>
      tpu.enqueue_dma source(%arg8 : memref<128x128xf32, #tpu.memory_space<vmem>>) target(%dma_start3A_41 : memref<128x128xf32, #tpu.memory_space<vmem_shared>>) target_semaphore(%run_scoped3A : memref<!tpu.dma_semaphore, #tpu.memory_space<semaphore_mem>>)
      %dma_wait3A = arith.constant 0 : i32
      %dma_wait3A_42 = tpu.memref_slice %arg9[%add3A_6, %dma_wait3A] : memref<10240x128xf32, #tpu.memory_space<vmem_shared>> -> memref<128x128xf32, #tpu.memory_space<vmem_shared>>
      %dma_wait3A_43 = arith.constant 0 : i32
      %dma_wait3A_44 = tpu.memref_slice %arg9[%add3A_6, %dma_wait3A_43] : memref<10240x128xf32, #tpu.memory_space<vmem_shared>> -> memref<128x128xf32, #tpu.memory_space<vmem_shared>>
      tpu.wait_dma2 semaphore(%run_scoped3A : memref<!tpu.dma_semaphore, #tpu.memory_space<semaphore_mem>>) src(%arg8 : memref<128x128xf32, #tpu.memory_space<vmem>>) dst(%dma_wait3A_44 : memref<128x128xf32, #tpu.memory_space<vmem_shared>>)
      tpu.yield
    }) : () -> ()
    %mul3A_7 = arith.constant 640 : i32
    %mul3A_8 = arith.muli %arg1, %mul3A_7 : i32
    %add3A_9 = arith.constant 128 : i32
    %add3A_10 = arith.addi %mul3A_8, %add3A_9 : i32
    "tpu.region"() ({
      %run_scoped3A = tpu.sem_alloc : memref<!tpu.dma_semaphore, #tpu.memory_space<semaphore_mem>>
      %dma_start3A = arith.constant 0 : i32
      %dma_start3A_39 = tpu.memref_slice %arg9[%add3A_10, %dma_start3A] : memref<10240x128xf32, #tpu.memory_space<vmem_shared>> -> memref<128x128xf32, #tpu.memory_space<vmem_shared>>
      %dma_start3A_40 = arith.constant 0 : i32
      %dma_start3A_41 = tpu.memref_slice %arg9[%add3A_10, %dma_start3A_40] : memref<10240x128xf32, #tpu.memory_space<vmem_shared>> -> memref<128x128xf32, #tpu.memory_space<vmem_shared>>
      tpu.enqueue_dma source(%arg8 : memref<128x128xf32, #tpu.memory_space<vmem>>) target(%dma_start3A_41 : memref<128x128xf32, #tpu.memory_space<vmem_shared>>) target_semaphore(%run_scoped3A : memref<!tpu.dma_semaphore, #tpu.memory_space<semaphore_mem>>)
      %dma_wait3A = arith.constant 0 : i32
      %dma_wait3A_42 = tpu.memref_slice %arg9[%add3A_10, %dma_wait3A] : memref<10240x128xf32, #tpu.memory_space<vmem_shared>> -> memref<128x128xf32, #tpu.memory_space<vmem_shared>>
      %dma_wait3A_43 = arith.constant 0 : i32
      %dma_wait3A_44 = tpu.memref_slice %arg9[%add3A_10, %dma_wait3A_43] : memref<10240x128xf32, #tpu.memory_space<vmem_shared>> -> memref<128x128xf32, #tpu.memory_space<vmem_shared>>
      tpu.wait_dma2 semaphore(%run_scoped3A : memref<!tpu.dma_semaphore, #tpu.memory_space<semaphore_mem>>) src(%arg8 : memref<128x128xf32, #tpu.memory_space<vmem>>) dst(%dma_wait3A_44 : memref<128x128xf32, #tpu.memory_space<vmem_shared>>)
      tpu.yield
    }) : () -> ()
    %mul3A_11 = arith.constant 640 : i32
    %mul3A_12 = arith.muli %arg1, %mul3A_11 : i32
    %add3A_13 = arith.constant 256 : i32
    %add3A_14 = arith.addi %mul3A_12, %add3A_13 : i32
    "tpu.region"() ({
      %run_scoped3A = tpu.sem_alloc : memref<!tpu.dma_semaphore, #tpu.memory_space<semaphore_mem>>
      %dma_start3A = arith.constant 0 : i32
      %dma_start3A_39 = tpu.memref_slice %arg9[%add3A_14, %dma_start3A] : memref<10240x128xf32, #tpu.memory_space<vmem_shared>> -> memref<128x128xf32, #tpu.memory_space<vmem_shared>>
      %dma_start3A_40 = arith.constant 0 : i32
      %dma_start3A_41 = tpu.memref_slice %arg9[%add3A_14, %dma_start3A_40] : memref<10240x128xf32, #tpu.memory_space<vmem_shared>> -> memref<128x128xf32, #tpu.memory_space<vmem_shared>>
      tpu.enqueue_dma source(%arg8 : memref<128x128xf32, #tpu.memory_space<vmem>>) target(%dma_start3A_41 : memref<128x128xf32, #tpu.memory_space<vmem_shared>>) target_semaphore(%run_scoped3A : memref<!tpu.dma_semaphore, #tpu.memory_space<semaphore_mem>>)
      %dma_wait3A = arith.constant 0 : i32
      %dma_wait3A_42 = tpu.memref_slice %arg9[%add3A_14, %dma_wait3A] : memref<10240x128xf32, #tpu.memory_space<vmem_shared>> -> memref<128x128xf32, #tpu.memory_space<vmem_shared>>
      %dma_wait3A_43 = arith.constant 0 : i32
      %dma_wait3A_44 = tpu.memref_slice %arg9[%add3A_14, %dma_wait3A_43] : memref<10240x128xf32, #tpu.memory_space<vmem_shared>> -> memref<128x128xf32, #tpu.memory_space<vmem_shared>>
      tpu.wait_dma2 semaphore(%run_scoped3A : memref<!tpu.dma_semaphore, #tpu.memory_space<semaphore_mem>>) src(%arg8 : memref<128x128xf32, #tpu.memory_space<vmem>>) dst(%dma_wait3A_44 : memref<128x128xf32, #tpu.memory_space<vmem_shared>>)
      tpu.yield
    }) : () -> ()
    %mul3A_15 = arith.constant 640 : i32
    %mul3A_16 = arith.muli %arg1, %mul3A_15 : i32
    %add3A_17 = arith.constant 384 : i32
    %add3A_18 = arith.addi %mul3A_16, %add3A_17 : i32
    "tpu.region"() ({
      %run_scoped3A = tpu.sem_alloc : memref<!tpu.dma_semaphore, #tpu.memory_space<semaphore_mem>>
      %dma_start3A = arith.constant 0 : i32
      %dma_start3A_39 = tpu.memref_slice %arg9[%add3A_18, %dma_start3A] : memref<10240x128xf32, #tpu.memory_space<vmem_shared>> -> memref<128x128xf32, #tpu.memory_space<vmem_shared>>
      %dma_start3A_40 = arith.constant 0 : i32
      %dma_start3A_41 = tpu.memref_slice %arg9[%add3A_18, %dma_start3A_40] : memref<10240x128xf32, #tpu.memory_space<vmem_shared>> -> memref<128x128xf32, #tpu.memory_space<vmem_shared>>
      tpu.enqueue_dma source(%arg8 : memref<128x128xf32, #tpu.memory_space<vmem>>) target(%dma_start3A_41 : memref<128x128xf32, #tpu.memory_space<vmem_shared>>) target_semaphore(%run_scoped3A : memref<!tpu.dma_semaphore, #tpu.memory_space<semaphore_mem>>)
      %dma_wait3A = arith.constant 0 : i32
      %dma_wait3A_42 = tpu.memref_slice %arg9[%add3A_18, %dma_wait3A] : memref<10240x128xf32, #tpu.memory_space<vmem_shared>> -> memref<128x128xf32, #tpu.memory_space<vmem_shared>>
      %dma_wait3A_43 = arith.constant 0 : i32
      %dma_wait3A_44 = tpu.memref_slice %arg9[%add3A_18, %dma_wait3A_43] : memref<10240x128xf32, #tpu.memory_space<vmem_shared>> -> memref<128x128xf32, #tpu.memory_space<vmem_shared>>
      tpu.wait_dma2 semaphore(%run_scoped3A : memref<!tpu.dma_semaphore, #tpu.memory_space<semaphore_mem>>) src(%arg8 : memref<128x128xf32, #tpu.memory_space<vmem>>) dst(%dma_wait3A_44 : memref<128x128xf32, #tpu.memory_space<vmem_shared>>)
      tpu.yield
    }) : () -> ()
    %mul3A_19 = arith.constant 640 : i32
    %mul3A_20 = arith.muli %arg1, %mul3A_19 : i32
    %add3A_21 = arith.constant 512 : i32
    %add3A_22 = arith.addi %mul3A_20, %add3A_21 : i32
    "tpu.region"() ({
      %run_scoped3A = tpu.sem_alloc : memref<!tpu.dma_semaphore, #tpu.memory_space<semaphore_mem>>
      %dma_start3A = arith.constant 0 : i32
      %dma_start3A_39 = tpu.memref_slice %arg9[%add3A_22, %dma_start3A] : memref<10240x128xf32, #tpu.memory_space<vmem_shared>> -> memref<128x128xf32, #tpu.memory_space<vmem_shared>>
      %dma_start3A_40 = arith.constant 0 : i32
      %dma_start3A_41 = tpu.memref_slice %arg9[%add3A_22, %dma_start3A_40] : memref<10240x128xf32, #tpu.memory_space<vmem_shared>> -> memref<128x128xf32, #tpu.memory_space<vmem_shared>>
      tpu.enqueue_dma source(%arg8 : memref<128x128xf32, #tpu.memory_space<vmem>>) target(%dma_start3A_41 : memref<128x128xf32, #tpu.memory_space<vmem_shared>>) target_semaphore(%run_scoped3A : memref<!tpu.dma_semaphore, #tpu.memory_space<semaphore_mem>>)
      %dma_wait3A = arith.constant 0 : i32
      %dma_wait3A_42 = tpu.memref_slice %arg9[%add3A_22, %dma_wait3A] : memref<10240x128xf32, #tpu.memory_space<vmem_shared>> -> memref<128x128xf32, #tpu.memory_space<vmem_shared>>
      %dma_wait3A_43 = arith.constant 0 : i32
      %dma_wait3A_44 = tpu.memref_slice %arg9[%add3A_22, %dma_wait3A_43] : memref<10240x128xf32, #tpu.memory_space<vmem_shared>> -> memref<128x128xf32, #tpu.memory_space<vmem_shared>>
      tpu.wait_dma2 semaphore(%run_scoped3A : memref<!tpu.dma_semaphore, #tpu.memory_space<semaphore_mem>>) src(%arg8 : memref<128x128xf32, #tpu.memory_space<vmem>>) dst(%dma_wait3A_44 : memref<128x128xf32, #tpu.memory_space<vmem_shared>>)
      tpu.yield
    }) : () -> ()
    %mul3A_23 = arith.constant 16 : i32
    %mul3A_24 = arith.muli %arg0, %mul3A_23 : i32
    %add3A_25 = arith.addi %mul3A_24, %arg1 : i32
    "tpu.region"() ({
      %run_scoped3A = tpu.sem_alloc : memref<!tpu.dma_semaphore, #tpu.memory_space<semaphore_mem>>
      %dma_start3A = arith.constant 0 : i32
      %dma_start3A_39 = arith.constant 0 : i32
      %dma_start3A_40 = tpu.memref_slice %arg2[%add3A_25, %dma_start3A, %dma_start3A_39] : memref<32x80x128xi32, #tpu.memory_space<hbm>> -> memref<1x80x128xi32, #tpu.memory_space<hbm>>
      %dma_start3A_41 = tpu.memref_squeeze %dma_start3A_40 : memref<1x80x128xi32, #tpu.memory_space<hbm>> -> memref<80x128xi32, #tpu.memory_space<hbm>>
      %dma_start3A_42 = arith.constant 0 : i32
      %dma_start3A_43 = arith.constant 0 : i32
      %dma_start3A_44 = tpu.memref_slice %arg2[%add3A_25, %dma_start3A_42, %dma_start3A_43] : memref<32x80x128xi32, #tpu.memory_space<hbm>> -> memref<1x80x128xi32, #tpu.memory_space<hbm>>
      %dma_start3A_45 = tpu.memref_squeeze %dma_start3A_44 : memref<1x80x128xi32, #tpu.memory_space<hbm>> -> memref<80x128xi32, #tpu.memory_space<hbm>>
      tpu.enqueue_dma source(%dma_start3A_45 : memref<80x128xi32, #tpu.memory_space<hbm>>) target(%arg6 : memref<80x128xi32, #tpu.memory_space<vmem>>) target_semaphore(%run_scoped3A : memref<!tpu.dma_semaphore, #tpu.memory_space<semaphore_mem>>)
      %dma_wait3A = arith.constant 0 : i32
      %dma_wait3A_46 = arith.constant 0 : i32
      %dma_wait3A_47 = tpu.memref_slice %arg2[%add3A_25, %dma_wait3A, %dma_wait3A_46] : memref<32x80x128xi32, #tpu.memory_space<hbm>> -> memref<1x80x128xi32, #tpu.memory_space<hbm>>
      %dma_wait3A_48 = tpu.memref_squeeze %dma_wait3A_47 : memref<1x80x128xi32, #tpu.memory_space<hbm>> -> memref<80x128xi32, #tpu.memory_space<hbm>>
      %dma_wait3A_49 = arith.constant 0 : i32
      %dma_wait3A_50 = arith.constant 0 : i32
      %dma_wait3A_51 = tpu.memref_slice %arg2[%add3A_25, %dma_wait3A_49, %dma_wait3A_50] : memref<32x80x128xi32, #tpu.memory_space<hbm>> -> memref<1x80x128xi32, #tpu.memory_space<hbm>>
      %dma_wait3A_52 = tpu.memref_squeeze %dma_wait3A_51 : memref<1x80x128xi32, #tpu.memory_space<hbm>> -> memref<80x128xi32, #tpu.memory_space<hbm>>
      tpu.wait_dma2 semaphore(%run_scoped3A : memref<!tpu.dma_semaphore, #tpu.memory_space<semaphore_mem>>) src(%dma_wait3A_52 : memref<80x128xi32, #tpu.memory_space<hbm>>) dst(%arg6 : memref<80x128xi32, #tpu.memory_space<vmem>>)
      tpu.yield
    }) : () -> ()
    "tpu.region"() ({
      %run_scoped3A = tpu.sem_alloc : memref<!tpu.dma_semaphore, #tpu.memory_space<semaphore_mem>>
      %dma_start3A = arith.constant 0 : i32
      %dma_start3A_39 = arith.constant 0 : i32
      %dma_start3A_40 = tpu.memref_slice %arg3[%arg1, %dma_start3A, %dma_start3A_39] : memref<16x80x128xi32, #tpu.memory_space<hbm>> -> memref<1x80x128xi32, #tpu.memory_space<hbm>>
      %dma_start3A_41 = tpu.memref_squeeze %dma_start3A_40 : memref<1x80x128xi32, #tpu.memory_space<hbm>> -> memref<80x128xi32, #tpu.memory_space<hbm>>
      %dma_start3A_42 = arith.constant 0 : i32
      %dma_start3A_43 = arith.constant 0 : i32
      %dma_start3A_44 = tpu.memref_slice %arg3[%arg1, %dma_start3A_42, %dma_start3A_43] : memref<16x80x128xi32, #tpu.memory_space<hbm>> -> memref<1x80x128xi32, #tpu.memory_space<hbm>>
      %dma_start3A_45 = tpu.memref_squeeze %dma_start3A_44 : memref<1x80x128xi32, #tpu.memory_space<hbm>> -> memref<80x128xi32, #tpu.memory_space<hbm>>
      tpu.enqueue_dma source(%dma_start3A_45 : memref<80x128xi32, #tpu.memory_space<hbm>>) target(%arg7 : memref<80x128xi32, #tpu.memory_space<vmem>>) target_semaphore(%run_scoped3A : memref<!tpu.dma_semaphore, #tpu.memory_space<semaphore_mem>>)
      %dma_wait3A = arith.constant 0 : i32
      %dma_wait3A_46 = arith.constant 0 : i32
      %dma_wait3A_47 = tpu.memref_slice %arg3[%arg1, %dma_wait3A, %dma_wait3A_46] : memref<16x80x128xi32, #tpu.memory_space<hbm>> -> memref<1x80x128xi32, #tpu.memory_space<hbm>>
      %dma_wait3A_48 = tpu.memref_squeeze %dma_wait3A_47 : memref<1x80x128xi32, #tpu.memory_space<hbm>> -> memref<80x128xi32, #tpu.memory_space<hbm>>
      %dma_wait3A_49 = arith.constant 0 : i32
      %dma_wait3A_50 = arith.constant 0 : i32
      %dma_wait3A_51 = tpu.memref_slice %arg3[%arg1, %dma_wait3A_49, %dma_wait3A_50] : memref<16x80x128xi32, #tpu.memory_space<hbm>> -> memref<1x80x128xi32, #tpu.memory_space<hbm>>
      %dma_wait3A_52 = tpu.memref_squeeze %dma_wait3A_51 : memref<1x80x128xi32, #tpu.memory_space<hbm>> -> memref<80x128xi32, #tpu.memory_space<hbm>>
      tpu.wait_dma2 semaphore(%run_scoped3A : memref<!tpu.dma_semaphore, #tpu.memory_space<semaphore_mem>>) src(%dma_wait3A_52 : memref<80x128xi32, #tpu.memory_space<hbm>>) dst(%arg7 : memref<80x128xi32, #tpu.memory_space<vmem>>)
      tpu.yield
    }) : () -> ()
    %barrier3A = arith.constant 0 : index
    tpu.barrier barrier_id(%barrier3A)
    %scan3A_26 = arith.constant 0 : i32
    %scan3A_27 = arith.constant 80 : i32
    %scan3A_28 = arith.addi %scan3A_26, %scan3A_27 : i32
    %scan3A_29 = arith.constant 1 : i32
    scf.for %scan3A_39 = %scan3A_26 to %scan3A_28 step %scan3A_29  : i32 {
      %mul3A_40 = arith.constant 1 : i32
      %mul3A_41 = arith.muli %scan3A_39, %mul3A_40 : i32
      %add3A_42 = arith.constant 0 : i32
      %add3A_43 = arith.addi %add3A_42, %mul3A_41 : i32
      "tpu.region"() ({
        %run_scoped3A = tpu.sem_alloc : memref<!tpu.dma_semaphore, #tpu.memory_space<semaphore_mem>>
        %dma_start3A = arith.constant 0 : i32
        %dma_start3A_44 = tpu.memref_slice %arg6[%add3A_43, %dma_start3A] : memref<80x128xi32, #tpu.memory_space<vmem>> -> memref<1x128xi32, #tpu.memory_space<vmem>>
        %dma_start3A_45 = tpu.memref_squeeze %dma_start3A_44 : memref<1x128xi32, #tpu.memory_space<vmem>> -> memref<128xi32, #tpu.memory_space<vmem>>
        %dma_start3A_46 = arith.constant 0 : i32
        %dma_start3A_47 = arith.constant 0 : i32
        %dma_start3A_48 = tpu.memref_slice %arg4[%dma_start3A_46, %dma_start3A_47] : memref<20000x128xf32, #tpu.memory_space<hbm>> -> memref<20000x128xf32, #tpu.memory_space<hbm>>
        tpu.enqueue_indirect_dma source(%dma_start3A_48 : memref<20000x128xf32, #tpu.memory_space<hbm>>) target(%arg8 : memref<128x128xf32, #tpu.memory_space<vmem>>) offsets(%dma_start3A_45 : memref<128xi32, #tpu.memory_space<vmem>>) semaphore(%run_scoped3A : memref<!tpu.dma_semaphore, #tpu.memory_space<semaphore_mem>>)
        %dma_wait3A = arith.constant 0 : i32
        %dma_wait3A_49 = tpu.memref_slice %arg6[%add3A_43, %dma_wait3A] : memref<80x128xi32, #tpu.memory_space<vmem>> -> memref<1x128xi32, #tpu.memory_space<vmem>>
        %dma_wait3A_50 = tpu.memref_squeeze %dma_wait3A_49 : memref<1x128xi32, #tpu.memory_space<vmem>> -> memref<128xi32, #tpu.memory_space<vmem>>
        %dma_wait3A_51 = arith.constant 0 : i32
        %dma_wait3A_52 = arith.constant 0 : i32
        %dma_wait3A_53 = tpu.memref_slice %arg4[%dma_wait3A_51, %dma_wait3A_52] : memref<20000x128xf32, #tpu.memory_space<hbm>> -> memref<20000x128xf32, #tpu.memory_space<hbm>>
        tpu.wait_indirect_dma semaphore(%run_scoped3A : memref<!tpu.dma_semaphore, #tpu.memory_space<semaphore_mem>>) src(%dma_wait3A_53 : memref<20000x128xf32, #tpu.memory_space<hbm>>) dst(%arg8 : memref<128x128xf32, #tpu.memory_space<vmem>>)
        tpu.yield
      }) : () -> ()
      "tpu.region"() ({
        %run_scoped3A = tpu.sem_alloc : memref<!tpu.dma_semaphore, #tpu.memory_space<semaphore_mem>>
        %dma_start3A = arith.constant 0 : i32
        %dma_start3A_44 = tpu.memref_slice %arg7[%add3A_43, %dma_start3A] : memref<80x128xi32, #tpu.memory_space<vmem>> -> memref<1x128xi32, #tpu.memory_space<vmem>>
        %dma_start3A_45 = tpu.memref_squeeze %dma_start3A_44 : memref<1x128xi32, #tpu.memory_space<vmem>> -> memref<128xi32, #tpu.memory_space<vmem>>
        %dma_start3A_46 = arith.constant 0 : i32
        %dma_start3A_47 = arith.constant 0 : i32
        %dma_start3A_48 = tpu.memref_slice %arg9[%dma_start3A_46, %dma_start3A_47] : memref<10240x128xf32, #tpu.memory_space<vmem_shared>> -> memref<10240x128xf32, #tpu.memory_space<vmem_shared>>
        tpu.enqueue_indirect_dma source(%arg8 : memref<128x128xf32, #tpu.memory_space<vmem>>) target(%dma_start3A_48 : memref<10240x128xf32, #tpu.memory_space<vmem_shared>>) offsets(%dma_start3A_45 : memref<128xi32, #tpu.memory_space<vmem>>) semaphore(%run_scoped3A : memref<!tpu.dma_semaphore, #tpu.memory_space<semaphore_mem>>) {add = true}
        %dma_wait3A = arith.constant 0 : i32
        %dma_wait3A_49 = tpu.memref_slice %arg7[%add3A_43, %dma_wait3A] : memref<80x128xi32, #tpu.memory_space<vmem>> -> memref<1x128xi32, #tpu.memory_space<vmem>>
        %dma_wait3A_50 = tpu.memref_squeeze %dma_wait3A_49 : memref<1x128xi32, #tpu.memory_space<vmem>> -> memref<128xi32, #tpu.memory_space<vmem>>
        %dma_wait3A_51 = arith.constant 0 : i32
        %dma_wait3A_52 = arith.constant 0 : i32
        %dma_wait3A_53 = tpu.memref_slice %arg9[%dma_wait3A_51, %dma_wait3A_52] : memref<10240x128xf32, #tpu.memory_space<vmem_shared>> -> memref<10240x128xf32, #tpu.memory_space<vmem_shared>>
        tpu.wait_indirect_dma semaphore(%run_scoped3A : memref<!tpu.dma_semaphore, #tpu.memory_space<semaphore_mem>>) src(%arg8 : memref<128x128xf32, #tpu.memory_space<vmem>>) dst(%dma_wait3A_53 : memref<10240x128xf32, #tpu.memory_space<vmem_shared>>)
        tpu.yield
      }) : () -> ()
    }
    %scan3A_30 = arith.constant 80 : i32
    %barrier3A_31 = arith.constant 0 : index
    tpu.barrier barrier_id(%barrier3A_31)
    %mul3A_32 = arith.constant 640 : i32
    %mul3A_33 = arith.muli %arg1, %mul3A_32 : i32
    %mul3A_34 = arith.constant 10240 : i32
    %mul3A_35 = arith.muli %arg0, %mul3A_34 : i32
    %mul3A_36 = arith.constant 640 : i32
    %mul3A_37 = arith.muli %arg1, %mul3A_36 : i32
    %add3A_38 = arith.addi %mul3A_35, %mul3A_37 : i32
    "tpu.region"() ({
      %run_scoped3A = tpu.sem_alloc : memref<!tpu.dma_semaphore, #tpu.memory_space<semaphore_mem>>
      %dma_start3A = arith.constant 0 : i32
      %dma_start3A_39 = tpu.memref_slice %arg5[%add3A_38, %dma_start3A] : memref<20480x128xf32, #tpu.memory_space<hbm>> -> memref<640x128xf32, #tpu.memory_space<hbm>>
      %dma_start3A_40 = arith.constant 0 : i32
      %dma_start3A_41 = tpu.memref_slice %arg9[%mul3A_33, %dma_start3A_40] : memref<10240x128xf32, #tpu.memory_space<vmem_shared>> -> memref<640x128xf32, #tpu.memory_space<vmem_shared>>
      tpu.enqueue_dma source(%dma_start3A_41 : memref<640x128xf32, #tpu.memory_space<vmem_shared>>) target(%dma_start3A_39 : memref<640x128xf32, #tpu.memory_space<hbm>>) target_semaphore(%run_scoped3A : memref<!tpu.dma_semaphore, #tpu.memory_space<semaphore_mem>>)
      %dma_wait3A = arith.constant 0 : i32
      %dma_wait3A_42 = tpu.memref_slice %arg5[%add3A_38, %dma_wait3A] : memref<20480x128xf32, #tpu.memory_space<hbm>> -> memref<640x128xf32, #tpu.memory_space<hbm>>
      %dma_wait3A_43 = arith.constant 0 : i32
      %dma_wait3A_44 = tpu.memref_slice %arg9[%mul3A_33, %dma_wait3A_43] : memref<10240x128xf32, #tpu.memory_space<vmem_shared>> -> memref<640x128xf32, #tpu.memory_space<vmem_shared>>
      tpu.wait_dma2 semaphore(%run_scoped3A : memref<!tpu.dma_semaphore, #tpu.memory_space<semaphore_mem>>) src(%dma_wait3A_44 : memref<640x128xf32, #tpu.memory_space<vmem_shared>>) dst(%dma_wait3A_42 : memref<640x128xf32, #tpu.memory_space<hbm>>)
      tpu.yield
    }) : () -> ()
    return
  }
}

#map = affine_map<(d0, d1) -> (0, 0, 0)>
#map1 = affine_map<(d0, d1) -> (0, 0)>
module attributes {stable_mosaic.version = 14 : i64} {
  func.func @_deg_body(%arg0: i32, %arg1: i32, %arg2: memref<32x40x128xi32, #tpu.memory_space<hbm>>, %arg3: memref<20480x128xf32, #tpu.memory_space<hbm>>, %arg4: memref<128x128xf32, #tpu.memory_space<vmem>>, %arg5: memref<40x128xi32, #tpu.memory_space<vmem>>, %arg6: memref<10240x128xf32, #tpu.memory_space<vmem_shared>>) attributes {dimension_semantics = [#tpu.dimension_semantics<core_parallel>, #tpu.dimension_semantics<subcore_parallel>], iteration_bounds = array<i64: 2, 16>, scalar_prefetch = 0 : i64, scratch_operands = 3 : i64, tpu.core_type = #tpu.core_type<sc_vector_subcore>, window_params = [{transform_indices = #map}, {transform_indices = #map1}]} {
    %mul3A = arith.constant 16 : i32
    %mul3A_0 = arith.muli %arg0, %mul3A : i32
    %add3A = arith.addi %mul3A_0, %arg1 : i32
    %broadcast_in_dim3A = arith.constant 0.000000e+00 : f32
    %broadcast_in_dim3A_1 = vector.broadcast %broadcast_in_dim3A : f32 to vector<16xf32>
    %scan3A = arith.constant 0 : i32
    %scan3A_2 = arith.constant 128 : i32
    %scan3A_3 = arith.addi %scan3A, %scan3A_2 : i32
    %scan3A_4 = arith.constant 1 : i32
    scf.for %scan3A_46 = %scan3A to %scan3A_3 step %scan3A_4  : i32 {
      %mul3A_47 = arith.constant 1 : i32
      %mul3A_48 = arith.muli %scan3A_46, %mul3A_47 : i32
      %add3A_49 = arith.constant 0 : i32
      %add3A_50 = arith.addi %add3A_49, %mul3A_48 : i32
      %swap3A = arith.index_cast %add3A_50 : i32 to index
      %swap3A_51 = arith.constant 0 : index
      %swap3A_52 = tpu.vector_load %arg4[%swap3A, %swap3A_51] {strides = array<i32>} : memref<128x128xf32, #tpu.memory_space<vmem>>, vector<1x16xf32>,
      %swap3A_53 = vector.shape_cast %swap3A_52 : vector<1x16xf32> to vector<16xf32>
      %swap3A_54 = vector.shape_cast %broadcast_in_dim3A_1 : vector<16xf32> to vector<1x16xf32>
      tpu.vector_store %arg4[%swap3A, %swap3A_51], %swap3A_54 {strides = array<i32>} : memref<128x128xf32, #tpu.memory_space<vmem>>, vector<1x16xf32>,
      %swap3A_55 = arith.index_cast %add3A_50 : i32 to index
      %swap3A_56 = arith.constant 16 : index
      %swap3A_57 = tpu.vector_load %arg4[%swap3A_55, %swap3A_56] {strides = array<i32>} : memref<128x128xf32, #tpu.memory_space<vmem>>, vector<1x16xf32>,
      %swap3A_58 = vector.shape_cast %swap3A_57 : vector<1x16xf32> to vector<16xf32>
      %swap3A_59 = vector.shape_cast %broadcast_in_dim3A_1 : vector<16xf32> to vector<1x16xf32>
      tpu.vector_store %arg4[%swap3A_55, %swap3A_56], %swap3A_59 {strides = array<i32>} : memref<128x128xf32, #tpu.memory_space<vmem>>, vector<1x16xf32>,
      %swap3A_60 = arith.index_cast %add3A_50 : i32 to index
      %swap3A_61 = arith.constant 32 : index
      %swap3A_62 = tpu.vector_load %arg4[%swap3A_60, %swap3A_61] {strides = array<i32>} : memref<128x128xf32, #tpu.memory_space<vmem>>, vector<1x16xf32>,
      %swap3A_63 = vector.shape_cast %swap3A_62 : vector<1x16xf32> to vector<16xf32>
      %swap3A_64 = vector.shape_cast %broadcast_in_dim3A_1 : vector<16xf32> to vector<1x16xf32>
      tpu.vector_store %arg4[%swap3A_60, %swap3A_61], %swap3A_64 {strides = array<i32>} : memref<128x128xf32, #tpu.memory_space<vmem>>, vector<1x16xf32>,
      %swap3A_65 = arith.index_cast %add3A_50 : i32 to index
      %swap3A_66 = arith.constant 48 : index
      %swap3A_67 = tpu.vector_load %arg4[%swap3A_65, %swap3A_66] {strides = array<i32>} : memref<128x128xf32, #tpu.memory_space<vmem>>, vector<1x16xf32>,
      %swap3A_68 = vector.shape_cast %swap3A_67 : vector<1x16xf32> to vector<16xf32>
      %swap3A_69 = vector.shape_cast %broadcast_in_dim3A_1 : vector<16xf32> to vector<1x16xf32>
      tpu.vector_store %arg4[%swap3A_65, %swap3A_66], %swap3A_69 {strides = array<i32>} : memref<128x128xf32, #tpu.memory_space<vmem>>, vector<1x16xf32>,
      %swap3A_70 = arith.index_cast %add3A_50 : i32 to index
      %swap3A_71 = arith.constant 64 : index
      %swap3A_72 = tpu.vector_load %arg4[%swap3A_70, %swap3A_71] {strides = array<i32>} : memref<128x128xf32, #tpu.memory_space<vmem>>, vector<1x16xf32>,
      %swap3A_73 = vector.shape_cast %swap3A_72 : vector<1x16xf32> to vector<16xf32>
      %swap3A_74 = vector.shape_cast %broadcast_in_dim3A_1 : vector<16xf32> to vector<1x16xf32>
      tpu.vector_store %arg4[%swap3A_70, %swap3A_71], %swap3A_74 {strides = array<i32>} : memref<128x128xf32, #tpu.memory_space<vmem>>, vector<1x16xf32>,
      %swap3A_75 = arith.index_cast %add3A_50 : i32 to index
      %swap3A_76 = arith.constant 80 : index
      %swap3A_77 = tpu.vector_load %arg4[%swap3A_75, %swap3A_76] {strides = array<i32>} : memref<128x128xf32, #tpu.memory_space<vmem>>, vector<1x16xf32>,
      %swap3A_78 = vector.shape_cast %swap3A_77 : vector<1x16xf32> to vector<16xf32>
      %swap3A_79 = vector.shape_cast %broadcast_in_dim3A_1 : vector<16xf32> to vector<1x16xf32>
      tpu.vector_store %arg4[%swap3A_75, %swap3A_76], %swap3A_79 {strides = array<i32>} : memref<128x128xf32, #tpu.memory_space<vmem>>, vector<1x16xf32>,
      %swap3A_80 = arith.index_cast %add3A_50 : i32 to index
      %swap3A_81 = arith.constant 96 : index
      %swap3A_82 = tpu.vector_load %arg4[%swap3A_80, %swap3A_81] {strides = array<i32>} : memref<128x128xf32, #tpu.memory_space<vmem>>, vector<1x16xf32>,
      %swap3A_83 = vector.shape_cast %swap3A_82 : vector<1x16xf32> to vector<16xf32>
      %swap3A_84 = vector.shape_cast %broadcast_in_dim3A_1 : vector<16xf32> to vector<1x16xf32>
      tpu.vector_store %arg4[%swap3A_80, %swap3A_81], %swap3A_84 {strides = array<i32>} : memref<128x128xf32, #tpu.memory_space<vmem>>, vector<1x16xf32>,
      %swap3A_85 = arith.index_cast %add3A_50 : i32 to index
      %swap3A_86 = arith.constant 112 : index
      %swap3A_87 = tpu.vector_load %arg4[%swap3A_85, %swap3A_86] {strides = array<i32>} : memref<128x128xf32, #tpu.memory_space<vmem>>, vector<1x16xf32>,
      %swap3A_88 = vector.shape_cast %swap3A_87 : vector<1x16xf32> to vector<16xf32>
      %swap3A_89 = vector.shape_cast %broadcast_in_dim3A_1 : vector<16xf32> to vector<1x16xf32>
      tpu.vector_store %arg4[%swap3A_85, %swap3A_86], %swap3A_89 {strides = array<i32>} : memref<128x128xf32, #tpu.memory_space<vmem>>, vector<1x16xf32>,
    }
    %scan3A_5 = arith.constant 128 : i32
    %mul3A_6 = arith.constant 640 : i32
    %mul3A_7 = arith.muli %arg1, %mul3A_6 : i32
    %add3A_8 = arith.constant 0 : i32
    %add3A_9 = arith.addi %mul3A_7, %add3A_8 : i32
    "tpu.region"() ({
      %run_scoped3A = tpu.sem_alloc : memref<!tpu.dma_semaphore, #tpu.memory_space<semaphore_mem>>
      %dma_start3A = arith.constant 0 : i32
      %dma_start3A_46 = tpu.memref_slice %arg6[%add3A_9, %dma_start3A] : memref<10240x128xf32, #tpu.memory_space<vmem_shared>> -> memref<128x128xf32, #tpu.memory_space<vmem_shared>>
      %dma_start3A_47 = arith.constant 0 : i32
      %dma_start3A_48 = tpu.memref_slice %arg6[%add3A_9, %dma_start3A_47] : memref<10240x128xf32, #tpu.memory_space<vmem_shared>> -> memref<128x128xf32, #tpu.memory_space<vmem_shared>>
      tpu.enqueue_dma source(%arg4 : memref<128x128xf32, #tpu.memory_space<vmem>>) target(%dma_start3A_48 : memref<128x128xf32, #tpu.memory_space<vmem_shared>>) target_semaphore(%run_scoped3A : memref<!tpu.dma_semaphore, #tpu.memory_space<semaphore_mem>>)
      %dma_wait3A = arith.constant 0 : i32
      %dma_wait3A_49 = tpu.memref_slice %arg6[%add3A_9, %dma_wait3A] : memref<10240x128xf32, #tpu.memory_space<vmem_shared>> -> memref<128x128xf32, #tpu.memory_space<vmem_shared>>
      %dma_wait3A_50 = arith.constant 0 : i32
      %dma_wait3A_51 = tpu.memref_slice %arg6[%add3A_9, %dma_wait3A_50] : memref<10240x128xf32, #tpu.memory_space<vmem_shared>> -> memref<128x128xf32, #tpu.memory_space<vmem_shared>>
      tpu.wait_dma2 semaphore(%run_scoped3A : memref<!tpu.dma_semaphore, #tpu.memory_space<semaphore_mem>>) src(%arg4 : memref<128x128xf32, #tpu.memory_space<vmem>>) dst(%dma_wait3A_51 : memref<128x128xf32, #tpu.memory_space<vmem_shared>>)
      tpu.yield
    }) : () -> ()
    %mul3A_10 = arith.constant 640 : i32
    %mul3A_11 = arith.muli %arg1, %mul3A_10 : i32
    %add3A_12 = arith.constant 128 : i32
    %add3A_13 = arith.addi %mul3A_11, %add3A_12 : i32
    "tpu.region"() ({
      %run_scoped3A = tpu.sem_alloc : memref<!tpu.dma_semaphore, #tpu.memory_space<semaphore_mem>>
      %dma_start3A = arith.constant 0 : i32
      %dma_start3A_46 = tpu.memref_slice %arg6[%add3A_13, %dma_start3A] : memref<10240x128xf32, #tpu.memory_space<vmem_shared>> -> memref<128x128xf32, #tpu.memory_space<vmem_shared>>
      %dma_start3A_47 = arith.constant 0 : i32
      %dma_start3A_48 = tpu.memref_slice %arg6[%add3A_13, %dma_start3A_47] : memref<10240x128xf32, #tpu.memory_space<vmem_shared>> -> memref<128x128xf32, #tpu.memory_space<vmem_shared>>
      tpu.enqueue_dma source(%arg4 : memref<128x128xf32, #tpu.memory_space<vmem>>) target(%dma_start3A_48 : memref<128x128xf32, #tpu.memory_space<vmem_shared>>) target_semaphore(%run_scoped3A : memref<!tpu.dma_semaphore, #tpu.memory_space<semaphore_mem>>)
      %dma_wait3A = arith.constant 0 : i32
      %dma_wait3A_49 = tpu.memref_slice %arg6[%add3A_13, %dma_wait3A] : memref<10240x128xf32, #tpu.memory_space<vmem_shared>> -> memref<128x128xf32, #tpu.memory_space<vmem_shared>>
      %dma_wait3A_50 = arith.constant 0 : i32
      %dma_wait3A_51 = tpu.memref_slice %arg6[%add3A_13, %dma_wait3A_50] : memref<10240x128xf32, #tpu.memory_space<vmem_shared>> -> memref<128x128xf32, #tpu.memory_space<vmem_shared>>
      tpu.wait_dma2 semaphore(%run_scoped3A : memref<!tpu.dma_semaphore, #tpu.memory_space<semaphore_mem>>) src(%arg4 : memref<128x128xf32, #tpu.memory_space<vmem>>) dst(%dma_wait3A_51 : memref<128x128xf32, #tpu.memory_space<vmem_shared>>)
      tpu.yield
    }) : () -> ()
    %mul3A_14 = arith.constant 640 : i32
    %mul3A_15 = arith.muli %arg1, %mul3A_14 : i32
    %add3A_16 = arith.constant 256 : i32
    %add3A_17 = arith.addi %mul3A_15, %add3A_16 : i32
    "tpu.region"() ({
      %run_scoped3A = tpu.sem_alloc : memref<!tpu.dma_semaphore, #tpu.memory_space<semaphore_mem>>
      %dma_start3A = arith.constant 0 : i32
      %dma_start3A_46 = tpu.memref_slice %arg6[%add3A_17, %dma_start3A] : memref<10240x128xf32, #tpu.memory_space<vmem_shared>> -> memref<128x128xf32, #tpu.memory_space<vmem_shared>>
      %dma_start3A_47 = arith.constant 0 : i32
      %dma_start3A_48 = tpu.memref_slice %arg6[%add3A_17, %dma_start3A_47] : memref<10240x128xf32, #tpu.memory_space<vmem_shared>> -> memref<128x128xf32, #tpu.memory_space<vmem_shared>>
      tpu.enqueue_dma source(%arg4 : memref<128x128xf32, #tpu.memory_space<vmem>>) target(%dma_start3A_48 : memref<128x128xf32, #tpu.memory_space<vmem_shared>>) target_semaphore(%run_scoped3A : memref<!tpu.dma_semaphore, #tpu.memory_space<semaphore_mem>>)
      %dma_wait3A = arith.constant 0 : i32
      %dma_wait3A_49 = tpu.memref_slice %arg6[%add3A_17, %dma_wait3A] : memref<10240x128xf32, #tpu.memory_space<vmem_shared>> -> memref<128x128xf32, #tpu.memory_space<vmem_shared>>
      %dma_wait3A_50 = arith.constant 0 : i32
      %dma_wait3A_51 = tpu.memref_slice %arg6[%add3A_17, %dma_wait3A_50] : memref<10240x128xf32, #tpu.memory_space<vmem_shared>> -> memref<128x128xf32, #tpu.memory_space<vmem_shared>>
      tpu.wait_dma2 semaphore(%run_scoped3A : memref<!tpu.dma_semaphore, #tpu.memory_space<semaphore_mem>>) src(%arg4 : memref<128x128xf32, #tpu.memory_space<vmem>>) dst(%dma_wait3A_51 : memref<128x128xf32, #tpu.memory_space<vmem_shared>>)
      tpu.yield
    }) : () -> ()
    %mul3A_18 = arith.constant 640 : i32
    %mul3A_19 = arith.muli %arg1, %mul3A_18 : i32
    %add3A_20 = arith.constant 384 : i32
    %add3A_21 = arith.addi %mul3A_19, %add3A_20 : i32
    "tpu.region"() ({
      %run_scoped3A = tpu.sem_alloc : memref<!tpu.dma_semaphore, #tpu.memory_space<semaphore_mem>>
      %dma_start3A = arith.constant 0 : i32
      %dma_start3A_46 = tpu.memref_slice %arg6[%add3A_21, %dma_start3A] : memref<10240x128xf32, #tpu.memory_space<vmem_shared>> -> memref<128x128xf32, #tpu.memory_space<vmem_shared>>
      %dma_start3A_47 = arith.constant 0 : i32
      %dma_start3A_48 = tpu.memref_slice %arg6[%add3A_21, %dma_start3A_47] : memref<10240x128xf32, #tpu.memory_space<vmem_shared>> -> memref<128x128xf32, #tpu.memory_space<vmem_shared>>
      tpu.enqueue_dma source(%arg4 : memref<128x128xf32, #tpu.memory_space<vmem>>) target(%dma_start3A_48 : memref<128x128xf32, #tpu.memory_space<vmem_shared>>) target_semaphore(%run_scoped3A : memref<!tpu.dma_semaphore, #tpu.memory_space<semaphore_mem>>)
      %dma_wait3A = arith.constant 0 : i32
      %dma_wait3A_49 = tpu.memref_slice %arg6[%add3A_21, %dma_wait3A] : memref<10240x128xf32, #tpu.memory_space<vmem_shared>> -> memref<128x128xf32, #tpu.memory_space<vmem_shared>>
      %dma_wait3A_50 = arith.constant 0 : i32
      %dma_wait3A_51 = tpu.memref_slice %arg6[%add3A_21, %dma_wait3A_50] : memref<10240x128xf32, #tpu.memory_space<vmem_shared>> -> memref<128x128xf32, #tpu.memory_space<vmem_shared>>
      tpu.wait_dma2 semaphore(%run_scoped3A : memref<!tpu.dma_semaphore, #tpu.memory_space<semaphore_mem>>) src(%arg4 : memref<128x128xf32, #tpu.memory_space<vmem>>) dst(%dma_wait3A_51 : memref<128x128xf32, #tpu.memory_space<vmem_shared>>)
      tpu.yield
    }) : () -> ()
    %mul3A_22 = arith.constant 640 : i32
    %mul3A_23 = arith.muli %arg1, %mul3A_22 : i32
    %add3A_24 = arith.constant 512 : i32
    %add3A_25 = arith.addi %mul3A_23, %add3A_24 : i32
    "tpu.region"() ({
      %run_scoped3A = tpu.sem_alloc : memref<!tpu.dma_semaphore, #tpu.memory_space<semaphore_mem>>
      %dma_start3A = arith.constant 0 : i32
      %dma_start3A_46 = tpu.memref_slice %arg6[%add3A_25, %dma_start3A] : memref<10240x128xf32, #tpu.memory_space<vmem_shared>> -> memref<128x128xf32, #tpu.memory_space<vmem_shared>>
      %dma_start3A_47 = arith.constant 0 : i32
      %dma_start3A_48 = tpu.memref_slice %arg6[%add3A_25, %dma_start3A_47] : memref<10240x128xf32, #tpu.memory_space<vmem_shared>> -> memref<128x128xf32, #tpu.memory_space<vmem_shared>>
      tpu.enqueue_dma source(%arg4 : memref<128x128xf32, #tpu.memory_space<vmem>>) target(%dma_start3A_48 : memref<128x128xf32, #tpu.memory_space<vmem_shared>>) target_semaphore(%run_scoped3A : memref<!tpu.dma_semaphore, #tpu.memory_space<semaphore_mem>>)
      %dma_wait3A = arith.constant 0 : i32
      %dma_wait3A_49 = tpu.memref_slice %arg6[%add3A_25, %dma_wait3A] : memref<10240x128xf32, #tpu.memory_space<vmem_shared>> -> memref<128x128xf32, #tpu.memory_space<vmem_shared>>
      %dma_wait3A_50 = arith.constant 0 : i32
      %dma_wait3A_51 = tpu.memref_slice %arg6[%add3A_25, %dma_wait3A_50] : memref<10240x128xf32, #tpu.memory_space<vmem_shared>> -> memref<128x128xf32, #tpu.memory_space<vmem_shared>>
      tpu.wait_dma2 semaphore(%run_scoped3A : memref<!tpu.dma_semaphore, #tpu.memory_space<semaphore_mem>>) src(%arg4 : memref<128x128xf32, #tpu.memory_space<vmem>>) dst(%dma_wait3A_51 : memref<128x128xf32, #tpu.memory_space<vmem_shared>>)
      tpu.yield
    }) : () -> ()
    %broadcast_in_dim3A_26 = arith.constant 1.000000e+00 : f32
    %broadcast_in_dim3A_27 = vector.broadcast %broadcast_in_dim3A_26 : f32 to vector<16xf32>
    %scan3A_28 = arith.constant 0 : i32
    %scan3A_29 = arith.constant 128 : i32
    %scan3A_30 = arith.addi %scan3A_28, %scan3A_29 : i32
    %scan3A_31 = arith.constant 1 : i32
    scf.for %scan3A_46 = %scan3A_28 to %scan3A_30 step %scan3A_31  : i32 {
      %mul3A_47 = arith.constant 1 : i32
      %mul3A_48 = arith.muli %scan3A_46, %mul3A_47 : i32
      %add3A_49 = arith.constant 0 : i32
      %add3A_50 = arith.addi %add3A_49, %mul3A_48 : i32
      %swap3A = arith.index_cast %add3A_50 : i32 to index
      %swap3A_51 = arith.constant 0 : index
      %swap3A_52 = tpu.vector_load %arg4[%swap3A, %swap3A_51] {strides = array<i32>} : memref<128x128xf32, #tpu.memory_space<vmem>>, vector<1x16xf32>,
      %swap3A_53 = vector.shape_cast %swap3A_52 : vector<1x16xf32> to vector<16xf32>
      %swap3A_54 = vector.shape_cast %broadcast_in_dim3A_27 : vector<16xf32> to vector<1x16xf32>
      tpu.vector_store %arg4[%swap3A, %swap3A_51], %swap3A_54 {strides = array<i32>} : memref<128x128xf32, #tpu.memory_space<vmem>>, vector<1x16xf32>,
      %swap3A_55 = arith.index_cast %add3A_50 : i32 to index
      %swap3A_56 = arith.constant 16 : index
      %swap3A_57 = tpu.vector_load %arg4[%swap3A_55, %swap3A_56] {strides = array<i32>} : memref<128x128xf32, #tpu.memory_space<vmem>>, vector<1x16xf32>,
      %swap3A_58 = vector.shape_cast %swap3A_57 : vector<1x16xf32> to vector<16xf32>
      %swap3A_59 = vector.shape_cast %broadcast_in_dim3A_27 : vector<16xf32> to vector<1x16xf32>
      tpu.vector_store %arg4[%swap3A_55, %swap3A_56], %swap3A_59 {strides = array<i32>} : memref<128x128xf32, #tpu.memory_space<vmem>>, vector<1x16xf32>,
      %swap3A_60 = arith.index_cast %add3A_50 : i32 to index
      %swap3A_61 = arith.constant 32 : index
      %swap3A_62 = tpu.vector_load %arg4[%swap3A_60, %swap3A_61] {strides = array<i32>} : memref<128x128xf32, #tpu.memory_space<vmem>>, vector<1x16xf32>,
      %swap3A_63 = vector.shape_cast %swap3A_62 : vector<1x16xf32> to vector<16xf32>
      %swap3A_64 = vector.shape_cast %broadcast_in_dim3A_27 : vector<16xf32> to vector<1x16xf32>
      tpu.vector_store %arg4[%swap3A_60, %swap3A_61], %swap3A_64 {strides = array<i32>} : memref<128x128xf32, #tpu.memory_space<vmem>>, vector<1x16xf32>,
      %swap3A_65 = arith.index_cast %add3A_50 : i32 to index
      %swap3A_66 = arith.constant 48 : index
      %swap3A_67 = tpu.vector_load %arg4[%swap3A_65, %swap3A_66] {strides = array<i32>} : memref<128x128xf32, #tpu.memory_space<vmem>>, vector<1x16xf32>,
      %swap3A_68 = vector.shape_cast %swap3A_67 : vector<1x16xf32> to vector<16xf32>
      %swap3A_69 = vector.shape_cast %broadcast_in_dim3A_27 : vector<16xf32> to vector<1x16xf32>
      tpu.vector_store %arg4[%swap3A_65, %swap3A_66], %swap3A_69 {strides = array<i32>} : memref<128x128xf32, #tpu.memory_space<vmem>>, vector<1x16xf32>,
      %swap3A_70 = arith.index_cast %add3A_50 : i32 to index
      %swap3A_71 = arith.constant 64 : index
      %swap3A_72 = tpu.vector_load %arg4[%swap3A_70, %swap3A_71] {strides = array<i32>} : memref<128x128xf32, #tpu.memory_space<vmem>>, vector<1x16xf32>,
      %swap3A_73 = vector.shape_cast %swap3A_72 : vector<1x16xf32> to vector<16xf32>
      %swap3A_74 = vector.shape_cast %broadcast_in_dim3A_27 : vector<16xf32> to vector<1x16xf32>
      tpu.vector_store %arg4[%swap3A_70, %swap3A_71], %swap3A_74 {strides = array<i32>} : memref<128x128xf32, #tpu.memory_space<vmem>>, vector<1x16xf32>,
      %swap3A_75 = arith.index_cast %add3A_50 : i32 to index
      %swap3A_76 = arith.constant 80 : index
      %swap3A_77 = tpu.vector_load %arg4[%swap3A_75, %swap3A_76] {strides = array<i32>} : memref<128x128xf32, #tpu.memory_space<vmem>>, vector<1x16xf32>,
      %swap3A_78 = vector.shape_cast %swap3A_77 : vector<1x16xf32> to vector<16xf32>
      %swap3A_79 = vector.shape_cast %broadcast_in_dim3A_27 : vector<16xf32> to vector<1x16xf32>
      tpu.vector_store %arg4[%swap3A_75, %swap3A_76], %swap3A_79 {strides = array<i32>} : memref<128x128xf32, #tpu.memory_space<vmem>>, vector<1x16xf32>,
      %swap3A_80 = arith.index_cast %add3A_50 : i32 to index
      %swap3A_81 = arith.constant 96 : index
      %swap3A_82 = tpu.vector_load %arg4[%swap3A_80, %swap3A_81] {strides = array<i32>} : memref<128x128xf32, #tpu.memory_space<vmem>>, vector<1x16xf32>,
      %swap3A_83 = vector.shape_cast %swap3A_82 : vector<1x16xf32> to vector<16xf32>
      %swap3A_84 = vector.shape_cast %broadcast_in_dim3A_27 : vector<16xf32> to vector<1x16xf32>
      tpu.vector_store %arg4[%swap3A_80, %swap3A_81], %swap3A_84 {strides = array<i32>} : memref<128x128xf32, #tpu.memory_space<vmem>>, vector<1x16xf32>,
      %swap3A_85 = arith.index_cast %add3A_50 : i32 to index
      %swap3A_86 = arith.constant 112 : index
      %swap3A_87 = tpu.vector_load %arg4[%swap3A_85, %swap3A_86] {strides = array<i32>} : memref<128x128xf32, #tpu.memory_space<vmem>>, vector<1x16xf32>,
      %swap3A_88 = vector.shape_cast %swap3A_87 : vector<1x16xf32> to vector<16xf32>
      %swap3A_89 = vector.shape_cast %broadcast_in_dim3A_27 : vector<16xf32> to vector<1x16xf32>
      tpu.vector_store %arg4[%swap3A_85, %swap3A_86], %swap3A_89 {strides = array<i32>} : memref<128x128xf32, #tpu.memory_space<vmem>>, vector<1x16xf32>,
    }
    %scan3A_32 = arith.constant 128 : i32
    "tpu.region"() ({
      %run_scoped3A = tpu.sem_alloc : memref<!tpu.dma_semaphore, #tpu.memory_space<semaphore_mem>>
      %dma_start3A = arith.constant 0 : i32
      %dma_start3A_46 = arith.constant 0 : i32
      %dma_start3A_47 = tpu.memref_slice %arg2[%add3A, %dma_start3A, %dma_start3A_46] : memref<32x40x128xi32, #tpu.memory_space<hbm>> -> memref<1x40x128xi32, #tpu.memory_space<hbm>>
      %dma_start3A_48 = tpu.memref_squeeze %dma_start3A_47 : memref<1x40x128xi32, #tpu.memory_space<hbm>> -> memref<40x128xi32, #tpu.memory_space<hbm>>
      %dma_start3A_49 = arith.constant 0 : i32
      %dma_start3A_50 = arith.constant 0 : i32
      %dma_start3A_51 = tpu.memref_slice %arg2[%add3A, %dma_start3A_49, %dma_start3A_50] : memref<32x40x128xi32, #tpu.memory_space<hbm>> -> memref<1x40x128xi32, #tpu.memory_space<hbm>>
      %dma_start3A_52 = tpu.memref_squeeze %dma_start3A_51 : memref<1x40x128xi32, #tpu.memory_space<hbm>> -> memref<40x128xi32, #tpu.memory_space<hbm>>
      tpu.enqueue_dma source(%dma_start3A_52 : memref<40x128xi32, #tpu.memory_space<hbm>>) target(%arg5 : memref<40x128xi32, #tpu.memory_space<vmem>>) target_semaphore(%run_scoped3A : memref<!tpu.dma_semaphore, #tpu.memory_space<semaphore_mem>>)
      %dma_wait3A = arith.constant 0 : i32
      %dma_wait3A_53 = arith.constant 0 : i32
      %dma_wait3A_54 = tpu.memref_slice %arg2[%add3A, %dma_wait3A, %dma_wait3A_53] : memref<32x40x128xi32, #tpu.memory_space<hbm>> -> memref<1x40x128xi32, #tpu.memory_space<hbm>>
      %dma_wait3A_55 = tpu.memref_squeeze %dma_wait3A_54 : memref<1x40x128xi32, #tpu.memory_space<hbm>> -> memref<40x128xi32, #tpu.memory_space<hbm>>
      %dma_wait3A_56 = arith.constant 0 : i32
      %dma_wait3A_57 = arith.constant 0 : i32
      %dma_wait3A_58 = tpu.memref_slice %arg2[%add3A, %dma_wait3A_56, %dma_wait3A_57] : memref<32x40x128xi32, #tpu.memory_space<hbm>> -> memref<1x40x128xi32, #tpu.memory_space<hbm>>
      %dma_wait3A_59 = tpu.memref_squeeze %dma_wait3A_58 : memref<1x40x128xi32, #tpu.memory_space<hbm>> -> memref<40x128xi32, #tpu.memory_space<hbm>>
      tpu.wait_dma2 semaphore(%run_scoped3A : memref<!tpu.dma_semaphore, #tpu.memory_space<semaphore_mem>>) src(%dma_wait3A_59 : memref<40x128xi32, #tpu.memory_space<hbm>>) dst(%arg5 : memref<40x128xi32, #tpu.memory_space<vmem>>)
      tpu.yield
    }) : () -> ()
    %barrier3A = arith.constant 0 : index
    tpu.barrier barrier_id(%barrier3A)
    %scan3A_33 = arith.constant 0 : i32
    %scan3A_34 = arith.constant 40 : i32
    %scan3A_35 = arith.addi %scan3A_33, %scan3A_34 : i32
    %scan3A_36 = arith.constant 1 : i32
    scf.for %scan3A_46 = %scan3A_33 to %scan3A_35 step %scan3A_36  : i32 {
      %mul3A_47 = arith.constant 1 : i32
      %mul3A_48 = arith.muli %scan3A_46, %mul3A_47 : i32
      %add3A_49 = arith.constant 0 : i32
      %add3A_50 = arith.addi %add3A_49, %mul3A_48 : i32
      "tpu.region"() ({
        %run_scoped3A = tpu.sem_alloc : memref<!tpu.dma_semaphore, #tpu.memory_space<semaphore_mem>>
        %dma_start3A = arith.constant 0 : i32
        %dma_start3A_51 = tpu.memref_slice %arg5[%add3A_50, %dma_start3A] : memref<40x128xi32, #tpu.memory_space<vmem>> -> memref<1x128xi32, #tpu.memory_space<vmem>>
        %dma_start3A_52 = tpu.memref_squeeze %dma_start3A_51 : memref<1x128xi32, #tpu.memory_space<vmem>> -> memref<128xi32, #tpu.memory_space<vmem>>
        %dma_start3A_53 = arith.constant 0 : i32
        %dma_start3A_54 = arith.constant 0 : i32
        %dma_start3A_55 = tpu.memref_slice %arg6[%dma_start3A_53, %dma_start3A_54] : memref<10240x128xf32, #tpu.memory_space<vmem_shared>> -> memref<10240x128xf32, #tpu.memory_space<vmem_shared>>
        tpu.enqueue_indirect_dma source(%arg4 : memref<128x128xf32, #tpu.memory_space<vmem>>) target(%dma_start3A_55 : memref<10240x128xf32, #tpu.memory_space<vmem_shared>>) offsets(%dma_start3A_52 : memref<128xi32, #tpu.memory_space<vmem>>) semaphore(%run_scoped3A : memref<!tpu.dma_semaphore, #tpu.memory_space<semaphore_mem>>) {add = true}
        %dma_wait3A = arith.constant 0 : i32
        %dma_wait3A_56 = tpu.memref_slice %arg5[%add3A_50, %dma_wait3A] : memref<40x128xi32, #tpu.memory_space<vmem>> -> memref<1x128xi32, #tpu.memory_space<vmem>>
        %dma_wait3A_57 = tpu.memref_squeeze %dma_wait3A_56 : memref<1x128xi32, #tpu.memory_space<vmem>> -> memref<128xi32, #tpu.memory_space<vmem>>
        %dma_wait3A_58 = arith.constant 0 : i32
        %dma_wait3A_59 = arith.constant 0 : i32
        %dma_wait3A_60 = tpu.memref_slice %arg6[%dma_wait3A_58, %dma_wait3A_59] : memref<10240x128xf32, #tpu.memory_space<vmem_shared>> -> memref<10240x128xf32, #tpu.memory_space<vmem_shared>>
        tpu.wait_indirect_dma semaphore(%run_scoped3A : memref<!tpu.dma_semaphore, #tpu.memory_space<semaphore_mem>>) src(%arg4 : memref<128x128xf32, #tpu.memory_space<vmem>>) dst(%dma_wait3A_60 : memref<10240x128xf32, #tpu.memory_space<vmem_shared>>)
        tpu.yield
      }) : () -> ()
    }
    %scan3A_37 = arith.constant 40 : i32
    %barrier3A_38 = arith.constant 0 : index
    tpu.barrier barrier_id(%barrier3A_38)
    %mul3A_39 = arith.constant 640 : i32
    %mul3A_40 = arith.muli %arg1, %mul3A_39 : i32
    %mul3A_41 = arith.constant 10240 : i32
    %mul3A_42 = arith.muli %arg0, %mul3A_41 : i32
    %mul3A_43 = arith.constant 640 : i32
    %mul3A_44 = arith.muli %arg1, %mul3A_43 : i32
    %add3A_45 = arith.addi %mul3A_42, %mul3A_44 : i32
    "tpu.region"() ({
      %run_scoped3A = tpu.sem_alloc : memref<!tpu.dma_semaphore, #tpu.memory_space<semaphore_mem>>
      %dma_start3A = arith.constant 0 : i32
      %dma_start3A_46 = tpu.memref_slice %arg3[%add3A_45, %dma_start3A] : memref<20480x128xf32, #tpu.memory_space<hbm>> -> memref<640x128xf32, #tpu.memory_space<hbm>>
      %dma_start3A_47 = arith.constant 0 : i32
      %dma_start3A_48 = tpu.memref_slice %arg6[%mul3A_40, %dma_start3A_47] : memref<10240x128xf32, #tpu.memory_space<vmem_shared>> -> memref<640x128xf32, #tpu.memory_space<vmem_shared>>
      tpu.enqueue_dma source(%dma_start3A_48 : memref<640x128xf32, #tpu.memory_space<vmem_shared>>) target(%dma_start3A_46 : memref<640x128xf32, #tpu.memory_space<hbm>>) target_semaphore(%run_scoped3A : memref<!tpu.dma_semaphore, #tpu.memory_space<semaphore_mem>>)
      %dma_wait3A = arith.constant 0 : i32
      %dma_wait3A_49 = tpu.memref_slice %arg3[%add3A_45, %dma_wait3A] : memref<20480x128xf32, #tpu.memory_space<hbm>> -> memref<640x128xf32, #tpu.memory_space<hbm>>
      %dma_wait3A_50 = arith.constant 0 : i32
      %dma_wait3A_51 = tpu.memref_slice %arg6[%mul3A_40, %dma_wait3A_50] : memref<10240x128xf32, #tpu.memory_space<vmem_shared>> -> memref<640x128xf32, #tpu.memory_space<vmem_shared>>
      tpu.wait_dma2 semaphore(%run_scoped3A : memref<!tpu.dma_semaphore, #tpu.memory_space<semaphore_mem>>) src(%dma_wait3A_51 : memref<640x128xf32, #tpu.memory_space<vmem_shared>>) dst(%dma_wait3A_49 : memref<640x128xf32, #tpu.memory_space<hbm>>)
      tpu.yield
    }) : () -> ()
    return
  }
}

#map = affine_map<(d0, d1) -> (0, 0, 0)>
#map1 = affine_map<(d0, d1) -> (0, 0)>
module attributes {stable_mosaic.version = 14 : i64} {
  func.func @_agg64_body(%arg0: i32, %arg1: i32, %arg2: memref<32x40x128xi32, #tpu.memory_space<hbm>>, %arg3: memref<32x40x128xi32, #tpu.memory_space<hbm>>, %arg4: memref<10000x128xf32, #tpu.memory_space<hbm>>, %arg5: memref<20480x128xf32, #tpu.memory_space<hbm>>, %arg6: memref<40x128xi32, #tpu.memory_space<vmem>>, %arg7: memref<40x128xi32, #tpu.memory_space<vmem>>, %arg8: memref<128x128xf32, #tpu.memory_space<vmem>>, %arg9: memref<10240x128xf32, #tpu.memory_space<vmem_shared>>) attributes {dimension_semantics = [#tpu.dimension_semantics<core_parallel>, #tpu.dimension_semantics<subcore_parallel>], iteration_bounds = array<i64: 2, 16>, scalar_prefetch = 0 : i64, scratch_operands = 4 : i64, tpu.core_type = #tpu.core_type<sc_vector_subcore>, window_params = [{transform_indices = #map}, {transform_indices = #map}, {transform_indices = #map1}, {transform_indices = #map1}]} {
    %mul3A = arith.constant 16 : i32
    %mul3A_0 = arith.muli %arg0, %mul3A : i32
    %add3A = arith.addi %mul3A_0, %arg1 : i32
    %broadcast_in_dim3A = arith.constant 0.000000e+00 : f32
    %broadcast_in_dim3A_1 = vector.broadcast %broadcast_in_dim3A : f32 to vector<16xf32>
    %scan3A = arith.constant 0 : i32
    %scan3A_2 = arith.constant 128 : i32
    %scan3A_3 = arith.addi %scan3A, %scan3A_2 : i32
    %scan3A_4 = arith.constant 1 : i32
    scf.for %scan3A_39 = %scan3A to %scan3A_3 step %scan3A_4  : i32 {
      %mul3A_40 = arith.constant 1 : i32
      %mul3A_41 = arith.muli %scan3A_39, %mul3A_40 : i32
      %add3A_42 = arith.constant 0 : i32
      %add3A_43 = arith.addi %add3A_42, %mul3A_41 : i32
      %swap3A = arith.index_cast %add3A_43 : i32 to index
      %swap3A_44 = arith.constant 0 : index
      %swap3A_45 = tpu.vector_load %arg8[%swap3A, %swap3A_44] {strides = array<i32>} : memref<128x128xf32, #tpu.memory_space<vmem>>, vector<1x16xf32>,
      %swap3A_46 = vector.shape_cast %swap3A_45 : vector<1x16xf32> to vector<16xf32>
      %swap3A_47 = vector.shape_cast %broadcast_in_dim3A_1 : vector<16xf32> to vector<1x16xf32>
      tpu.vector_store %arg8[%swap3A, %swap3A_44], %swap3A_47 {strides = array<i32>} : memref<128x128xf32, #tpu.memory_space<vmem>>, vector<1x16xf32>,
      %swap3A_48 = arith.index_cast %add3A_43 : i32 to index
      %swap3A_49 = arith.constant 16 : index
      %swap3A_50 = tpu.vector_load %arg8[%swap3A_48, %swap3A_49] {strides = array<i32>} : memref<128x128xf32, #tpu.memory_space<vmem>>, vector<1x16xf32>,
      %swap3A_51 = vector.shape_cast %swap3A_50 : vector<1x16xf32> to vector<16xf32>
      %swap3A_52 = vector.shape_cast %broadcast_in_dim3A_1 : vector<16xf32> to vector<1x16xf32>
      tpu.vector_store %arg8[%swap3A_48, %swap3A_49], %swap3A_52 {strides = array<i32>} : memref<128x128xf32, #tpu.memory_space<vmem>>, vector<1x16xf32>,
      %swap3A_53 = arith.index_cast %add3A_43 : i32 to index
      %swap3A_54 = arith.constant 32 : index
      %swap3A_55 = tpu.vector_load %arg8[%swap3A_53, %swap3A_54] {strides = array<i32>} : memref<128x128xf32, #tpu.memory_space<vmem>>, vector<1x16xf32>,
      %swap3A_56 = vector.shape_cast %swap3A_55 : vector<1x16xf32> to vector<16xf32>
      %swap3A_57 = vector.shape_cast %broadcast_in_dim3A_1 : vector<16xf32> to vector<1x16xf32>
      tpu.vector_store %arg8[%swap3A_53, %swap3A_54], %swap3A_57 {strides = array<i32>} : memref<128x128xf32, #tpu.memory_space<vmem>>, vector<1x16xf32>,
      %swap3A_58 = arith.index_cast %add3A_43 : i32 to index
      %swap3A_59 = arith.constant 48 : index
      %swap3A_60 = tpu.vector_load %arg8[%swap3A_58, %swap3A_59] {strides = array<i32>} : memref<128x128xf32, #tpu.memory_space<vmem>>, vector<1x16xf32>,
      %swap3A_61 = vector.shape_cast %swap3A_60 : vector<1x16xf32> to vector<16xf32>
      %swap3A_62 = vector.shape_cast %broadcast_in_dim3A_1 : vector<16xf32> to vector<1x16xf32>
      tpu.vector_store %arg8[%swap3A_58, %swap3A_59], %swap3A_62 {strides = array<i32>} : memref<128x128xf32, #tpu.memory_space<vmem>>, vector<1x16xf32>,
      %swap3A_63 = arith.index_cast %add3A_43 : i32 to index
      %swap3A_64 = arith.constant 64 : index
      %swap3A_65 = tpu.vector_load %arg8[%swap3A_63, %swap3A_64] {strides = array<i32>} : memref<128x128xf32, #tpu.memory_space<vmem>>, vector<1x16xf32>,
      %swap3A_66 = vector.shape_cast %swap3A_65 : vector<1x16xf32> to vector<16xf32>
      %swap3A_67 = vector.shape_cast %broadcast_in_dim3A_1 : vector<16xf32> to vector<1x16xf32>
      tpu.vector_store %arg8[%swap3A_63, %swap3A_64], %swap3A_67 {strides = array<i32>} : memref<128x128xf32, #tpu.memory_space<vmem>>, vector<1x16xf32>,
      %swap3A_68 = arith.index_cast %add3A_43 : i32 to index
      %swap3A_69 = arith.constant 80 : index
      %swap3A_70 = tpu.vector_load %arg8[%swap3A_68, %swap3A_69] {strides = array<i32>} : memref<128x128xf32, #tpu.memory_space<vmem>>, vector<1x16xf32>,
      %swap3A_71 = vector.shape_cast %swap3A_70 : vector<1x16xf32> to vector<16xf32>
      %swap3A_72 = vector.shape_cast %broadcast_in_dim3A_1 : vector<16xf32> to vector<1x16xf32>
      tpu.vector_store %arg8[%swap3A_68, %swap3A_69], %swap3A_72 {strides = array<i32>} : memref<128x128xf32, #tpu.memory_space<vmem>>, vector<1x16xf32>,
      %swap3A_73 = arith.index_cast %add3A_43 : i32 to index
      %swap3A_74 = arith.constant 96 : index
      %swap3A_75 = tpu.vector_load %arg8[%swap3A_73, %swap3A_74] {strides = array<i32>} : memref<128x128xf32, #tpu.memory_space<vmem>>, vector<1x16xf32>,
      %swap3A_76 = vector.shape_cast %swap3A_75 : vector<1x16xf32> to vector<16xf32>
      %swap3A_77 = vector.shape_cast %broadcast_in_dim3A_1 : vector<16xf32> to vector<1x16xf32>
      tpu.vector_store %arg8[%swap3A_73, %swap3A_74], %swap3A_77 {strides = array<i32>} : memref<128x128xf32, #tpu.memory_space<vmem>>, vector<1x16xf32>,
      %swap3A_78 = arith.index_cast %add3A_43 : i32 to index
      %swap3A_79 = arith.constant 112 : index
      %swap3A_80 = tpu.vector_load %arg8[%swap3A_78, %swap3A_79] {strides = array<i32>} : memref<128x128xf32, #tpu.memory_space<vmem>>, vector<1x16xf32>,
      %swap3A_81 = vector.shape_cast %swap3A_80 : vector<1x16xf32> to vector<16xf32>
      %swap3A_82 = vector.shape_cast %broadcast_in_dim3A_1 : vector<16xf32> to vector<1x16xf32>
      tpu.vector_store %arg8[%swap3A_78, %swap3A_79], %swap3A_82 {strides = array<i32>} : memref<128x128xf32, #tpu.memory_space<vmem>>, vector<1x16xf32>,
    }
    %scan3A_5 = arith.constant 128 : i32
    %mul3A_6 = arith.constant 640 : i32
    %mul3A_7 = arith.muli %arg1, %mul3A_6 : i32
    %add3A_8 = arith.constant 0 : i32
    %add3A_9 = arith.addi %mul3A_7, %add3A_8 : i32
    "tpu.region"() ({
      %run_scoped3A = tpu.sem_alloc : memref<!tpu.dma_semaphore, #tpu.memory_space<semaphore_mem>>
      %dma_start3A = arith.constant 0 : i32
      %dma_start3A_39 = tpu.memref_slice %arg9[%add3A_9, %dma_start3A] : memref<10240x128xf32, #tpu.memory_space<vmem_shared>> -> memref<128x128xf32, #tpu.memory_space<vmem_shared>>
      %dma_start3A_40 = arith.constant 0 : i32
      %dma_start3A_41 = tpu.memref_slice %arg9[%add3A_9, %dma_start3A_40] : memref<10240x128xf32, #tpu.memory_space<vmem_shared>> -> memref<128x128xf32, #tpu.memory_space<vmem_shared>>
      tpu.enqueue_dma source(%arg8 : memref<128x128xf32, #tpu.memory_space<vmem>>) target(%dma_start3A_41 : memref<128x128xf32, #tpu.memory_space<vmem_shared>>) target_semaphore(%run_scoped3A : memref<!tpu.dma_semaphore, #tpu.memory_space<semaphore_mem>>)
      %dma_wait3A = arith.constant 0 : i32
      %dma_wait3A_42 = tpu.memref_slice %arg9[%add3A_9, %dma_wait3A] : memref<10240x128xf32, #tpu.memory_space<vmem_shared>> -> memref<128x128xf32, #tpu.memory_space<vmem_shared>>
      %dma_wait3A_43 = arith.constant 0 : i32
      %dma_wait3A_44 = tpu.memref_slice %arg9[%add3A_9, %dma_wait3A_43] : memref<10240x128xf32, #tpu.memory_space<vmem_shared>> -> memref<128x128xf32, #tpu.memory_space<vmem_shared>>
      tpu.wait_dma2 semaphore(%run_scoped3A : memref<!tpu.dma_semaphore, #tpu.memory_space<semaphore_mem>>) src(%arg8 : memref<128x128xf32, #tpu.memory_space<vmem>>) dst(%dma_wait3A_44 : memref<128x128xf32, #tpu.memory_space<vmem_shared>>)
      tpu.yield
    }) : () -> ()
    %mul3A_10 = arith.constant 640 : i32
    %mul3A_11 = arith.muli %arg1, %mul3A_10 : i32
    %add3A_12 = arith.constant 128 : i32
    %add3A_13 = arith.addi %mul3A_11, %add3A_12 : i32
    "tpu.region"() ({
      %run_scoped3A = tpu.sem_alloc : memref<!tpu.dma_semaphore, #tpu.memory_space<semaphore_mem>>
      %dma_start3A = arith.constant 0 : i32
      %dma_start3A_39 = tpu.memref_slice %arg9[%add3A_13, %dma_start3A] : memref<10240x128xf32, #tpu.memory_space<vmem_shared>> -> memref<128x128xf32, #tpu.memory_space<vmem_shared>>
      %dma_start3A_40 = arith.constant 0 : i32
      %dma_start3A_41 = tpu.memref_slice %arg9[%add3A_13, %dma_start3A_40] : memref<10240x128xf32, #tpu.memory_space<vmem_shared>> -> memref<128x128xf32, #tpu.memory_space<vmem_shared>>
      tpu.enqueue_dma source(%arg8 : memref<128x128xf32, #tpu.memory_space<vmem>>) target(%dma_start3A_41 : memref<128x128xf32, #tpu.memory_space<vmem_shared>>) target_semaphore(%run_scoped3A : memref<!tpu.dma_semaphore, #tpu.memory_space<semaphore_mem>>)
      %dma_wait3A = arith.constant 0 : i32
      %dma_wait3A_42 = tpu.memref_slice %arg9[%add3A_13, %dma_wait3A] : memref<10240x128xf32, #tpu.memory_space<vmem_shared>> -> memref<128x128xf32, #tpu.memory_space<vmem_shared>>
      %dma_wait3A_43 = arith.constant 0 : i32
      %dma_wait3A_44 = tpu.memref_slice %arg9[%add3A_13, %dma_wait3A_43] : memref<10240x128xf32, #tpu.memory_space<vmem_shared>> -> memref<128x128xf32, #tpu.memory_space<vmem_shared>>
      tpu.wait_dma2 semaphore(%run_scoped3A : memref<!tpu.dma_semaphore, #tpu.memory_space<semaphore_mem>>) src(%arg8 : memref<128x128xf32, #tpu.memory_space<vmem>>) dst(%dma_wait3A_44 : memref<128x128xf32, #tpu.memory_space<vmem_shared>>)
      tpu.yield
    }) : () -> ()
    %mul3A_14 = arith.constant 640 : i32
    %mul3A_15 = arith.muli %arg1, %mul3A_14 : i32
    %add3A_16 = arith.constant 256 : i32
    %add3A_17 = arith.addi %mul3A_15, %add3A_16 : i32
    "tpu.region"() ({
      %run_scoped3A = tpu.sem_alloc : memref<!tpu.dma_semaphore, #tpu.memory_space<semaphore_mem>>
      %dma_start3A = arith.constant 0 : i32
      %dma_start3A_39 = tpu.memref_slice %arg9[%add3A_17, %dma_start3A] : memref<10240x128xf32, #tpu.memory_space<vmem_shared>> -> memref<128x128xf32, #tpu.memory_space<vmem_shared>>
      %dma_start3A_40 = arith.constant 0 : i32
      %dma_start3A_41 = tpu.memref_slice %arg9[%add3A_17, %dma_start3A_40] : memref<10240x128xf32, #tpu.memory_space<vmem_shared>> -> memref<128x128xf32, #tpu.memory_space<vmem_shared>>
      tpu.enqueue_dma source(%arg8 : memref<128x128xf32, #tpu.memory_space<vmem>>) target(%dma_start3A_41 : memref<128x128xf32, #tpu.memory_space<vmem_shared>>) target_semaphore(%run_scoped3A : memref<!tpu.dma_semaphore, #tpu.memory_space<semaphore_mem>>)
      %dma_wait3A = arith.constant 0 : i32
      %dma_wait3A_42 = tpu.memref_slice %arg9[%add3A_17, %dma_wait3A] : memref<10240x128xf32, #tpu.memory_space<vmem_shared>> -> memref<128x128xf32, #tpu.memory_space<vmem_shared>>
      %dma_wait3A_43 = arith.constant 0 : i32
      %dma_wait3A_44 = tpu.memref_slice %arg9[%add3A_17, %dma_wait3A_43] : memref<10240x128xf32, #tpu.memory_space<vmem_shared>> -> memref<128x128xf32, #tpu.memory_space<vmem_shared>>
      tpu.wait_dma2 semaphore(%run_scoped3A : memref<!tpu.dma_semaphore, #tpu.memory_space<semaphore_mem>>) src(%arg8 : memref<128x128xf32, #tpu.memory_space<vmem>>) dst(%dma_wait3A_44 : memref<128x128xf32, #tpu.memory_space<vmem_shared>>)
      tpu.yield
    }) : () -> ()
    %mul3A_18 = arith.constant 640 : i32
    %mul3A_19 = arith.muli %arg1, %mul3A_18 : i32
    %add3A_20 = arith.constant 384 : i32
    %add3A_21 = arith.addi %mul3A_19, %add3A_20 : i32
    "tpu.region"() ({
      %run_scoped3A = tpu.sem_alloc : memref<!tpu.dma_semaphore, #tpu.memory_space<semaphore_mem>>
      %dma_start3A = arith.constant 0 : i32
      %dma_start3A_39 = tpu.memref_slice %arg9[%add3A_21, %dma_start3A] : memref<10240x128xf32, #tpu.memory_space<vmem_shared>> -> memref<128x128xf32, #tpu.memory_space<vmem_shared>>
      %dma_start3A_40 = arith.constant 0 : i32
      %dma_start3A_41 = tpu.memref_slice %arg9[%add3A_21, %dma_start3A_40] : memref<10240x128xf32, #tpu.memory_space<vmem_shared>> -> memref<128x128xf32, #tpu.memory_space<vmem_shared>>
      tpu.enqueue_dma source(%arg8 : memref<128x128xf32, #tpu.memory_space<vmem>>) target(%dma_start3A_41 : memref<128x128xf32, #tpu.memory_space<vmem_shared>>) target_semaphore(%run_scoped3A : memref<!tpu.dma_semaphore, #tpu.memory_space<semaphore_mem>>)
      %dma_wait3A = arith.constant 0 : i32
      %dma_wait3A_42 = tpu.memref_slice %arg9[%add3A_21, %dma_wait3A] : memref<10240x128xf32, #tpu.memory_space<vmem_shared>> -> memref<128x128xf32, #tpu.memory_space<vmem_shared>>
      %dma_wait3A_43 = arith.constant 0 : i32
      %dma_wait3A_44 = tpu.memref_slice %arg9[%add3A_21, %dma_wait3A_43] : memref<10240x128xf32, #tpu.memory_space<vmem_shared>> -> memref<128x128xf32, #tpu.memory_space<vmem_shared>>
      tpu.wait_dma2 semaphore(%run_scoped3A : memref<!tpu.dma_semaphore, #tpu.memory_space<semaphore_mem>>) src(%arg8 : memref<128x128xf32, #tpu.memory_space<vmem>>) dst(%dma_wait3A_44 : memref<128x128xf32, #tpu.memory_space<vmem_shared>>)
      tpu.yield
    }) : () -> ()
    %mul3A_22 = arith.constant 640 : i32
    %mul3A_23 = arith.muli %arg1, %mul3A_22 : i32
    %add3A_24 = arith.constant 512 : i32
    %add3A_25 = arith.addi %mul3A_23, %add3A_24 : i32
    "tpu.region"() ({
      %run_scoped3A = tpu.sem_alloc : memref<!tpu.dma_semaphore, #tpu.memory_space<semaphore_mem>>
      %dma_start3A = arith.constant 0 : i32
      %dma_start3A_39 = tpu.memref_slice %arg9[%add3A_25, %dma_start3A] : memref<10240x128xf32, #tpu.memory_space<vmem_shared>> -> memref<128x128xf32, #tpu.memory_space<vmem_shared>>
      %dma_start3A_40 = arith.constant 0 : i32
      %dma_start3A_41 = tpu.memref_slice %arg9[%add3A_25, %dma_start3A_40] : memref<10240x128xf32, #tpu.memory_space<vmem_shared>> -> memref<128x128xf32, #tpu.memory_space<vmem_shared>>
      tpu.enqueue_dma source(%arg8 : memref<128x128xf32, #tpu.memory_space<vmem>>) target(%dma_start3A_41 : memref<128x128xf32, #tpu.memory_space<vmem_shared>>) target_semaphore(%run_scoped3A : memref<!tpu.dma_semaphore, #tpu.memory_space<semaphore_mem>>)
      %dma_wait3A = arith.constant 0 : i32
      %dma_wait3A_42 = tpu.memref_slice %arg9[%add3A_25, %dma_wait3A] : memref<10240x128xf32, #tpu.memory_space<vmem_shared>> -> memref<128x128xf32, #tpu.memory_space<vmem_shared>>
      %dma_wait3A_43 = arith.constant 0 : i32
      %dma_wait3A_44 = tpu.memref_slice %arg9[%add3A_25, %dma_wait3A_43] : memref<10240x128xf32, #tpu.memory_space<vmem_shared>> -> memref<128x128xf32, #tpu.memory_space<vmem_shared>>
      tpu.wait_dma2 semaphore(%run_scoped3A : memref<!tpu.dma_semaphore, #tpu.memory_space<semaphore_mem>>) src(%arg8 : memref<128x128xf32, #tpu.memory_space<vmem>>) dst(%dma_wait3A_44 : memref<128x128xf32, #tpu.memory_space<vmem_shared>>)
      tpu.yield
    }) : () -> ()
    "tpu.region"() ({
      %run_scoped3A = tpu.sem_alloc : memref<!tpu.dma_semaphore, #tpu.memory_space<semaphore_mem>>
      %dma_start3A = arith.constant 0 : i32
      %dma_start3A_39 = arith.constant 0 : i32
      %dma_start3A_40 = tpu.memref_slice %arg2[%add3A, %dma_start3A, %dma_start3A_39] : memref<32x40x128xi32, #tpu.memory_space<hbm>> -> memref<1x40x128xi32, #tpu.memory_space<hbm>>
      %dma_start3A_41 = tpu.memref_squeeze %dma_start3A_40 : memref<1x40x128xi32, #tpu.memory_space<hbm>> -> memref<40x128xi32, #tpu.memory_space<hbm>>
      %dma_start3A_42 = arith.constant 0 : i32
      %dma_start3A_43 = arith.constant 0 : i32
      %dma_start3A_44 = tpu.memref_slice %arg2[%add3A, %dma_start3A_42, %dma_start3A_43] : memref<32x40x128xi32, #tpu.memory_space<hbm>> -> memref<1x40x128xi32, #tpu.memory_space<hbm>>
      %dma_start3A_45 = tpu.memref_squeeze %dma_start3A_44 : memref<1x40x128xi32, #tpu.memory_space<hbm>> -> memref<40x128xi32, #tpu.memory_space<hbm>>
      tpu.enqueue_dma source(%dma_start3A_45 : memref<40x128xi32, #tpu.memory_space<hbm>>) target(%arg6 : memref<40x128xi32, #tpu.memory_space<vmem>>) target_semaphore(%run_scoped3A : memref<!tpu.dma_semaphore, #tpu.memory_space<semaphore_mem>>)
      %dma_wait3A = arith.constant 0 : i32
      %dma_wait3A_46 = arith.constant 0 : i32
      %dma_wait3A_47 = tpu.memref_slice %arg2[%add3A, %dma_wait3A, %dma_wait3A_46] : memref<32x40x128xi32, #tpu.memory_space<hbm>> -> memref<1x40x128xi32, #tpu.memory_space<hbm>>
      %dma_wait3A_48 = tpu.memref_squeeze %dma_wait3A_47 : memref<1x40x128xi32, #tpu.memory_space<hbm>> -> memref<40x128xi32, #tpu.memory_space<hbm>>
      %dma_wait3A_49 = arith.constant 0 : i32
      %dma_wait3A_50 = arith.constant 0 : i32
      %dma_wait3A_51 = tpu.memref_slice %arg2[%add3A, %dma_wait3A_49, %dma_wait3A_50] : memref<32x40x128xi32, #tpu.memory_space<hbm>> -> memref<1x40x128xi32, #tpu.memory_space<hbm>>
      %dma_wait3A_52 = tpu.memref_squeeze %dma_wait3A_51 : memref<1x40x128xi32, #tpu.memory_space<hbm>> -> memref<40x128xi32, #tpu.memory_space<hbm>>
      tpu.wait_dma2 semaphore(%run_scoped3A : memref<!tpu.dma_semaphore, #tpu.memory_space<semaphore_mem>>) src(%dma_wait3A_52 : memref<40x128xi32, #tpu.memory_space<hbm>>) dst(%arg6 : memref<40x128xi32, #tpu.memory_space<vmem>>)
      tpu.yield
    }) : () -> ()
    "tpu.region"() ({
      %run_scoped3A = tpu.sem_alloc : memref<!tpu.dma_semaphore, #tpu.memory_space<semaphore_mem>>
      %dma_start3A = arith.constant 0 : i32
      %dma_start3A_39 = arith.constant 0 : i32
      %dma_start3A_40 = tpu.memref_slice %arg3[%add3A, %dma_start3A, %dma_start3A_39] : memref<32x40x128xi32, #tpu.memory_space<hbm>> -> memref<1x40x128xi32, #tpu.memory_space<hbm>>
      %dma_start3A_41 = tpu.memref_squeeze %dma_start3A_40 : memref<1x40x128xi32, #tpu.memory_space<hbm>> -> memref<40x128xi32, #tpu.memory_space<hbm>>
      %dma_start3A_42 = arith.constant 0 : i32
      %dma_start3A_43 = arith.constant 0 : i32
      %dma_start3A_44 = tpu.memref_slice %arg3[%add3A, %dma_start3A_42, %dma_start3A_43] : memref<32x40x128xi32, #tpu.memory_space<hbm>> -> memref<1x40x128xi32, #tpu.memory_space<hbm>>
      %dma_start3A_45 = tpu.memref_squeeze %dma_start3A_44 : memref<1x40x128xi32, #tpu.memory_space<hbm>> -> memref<40x128xi32, #tpu.memory_space<hbm>>
      tpu.enqueue_dma source(%dma_start3A_45 : memref<40x128xi32, #tpu.memory_space<hbm>>) target(%arg7 : memref<40x128xi32, #tpu.memory_space<vmem>>) target_semaphore(%run_scoped3A : memref<!tpu.dma_semaphore, #tpu.memory_space<semaphore_mem>>)
      %dma_wait3A = arith.constant 0 : i32
      %dma_wait3A_46 = arith.constant 0 : i32
      %dma_wait3A_47 = tpu.memref_slice %arg3[%add3A, %dma_wait3A, %dma_wait3A_46] : memref<32x40x128xi32, #tpu.memory_space<hbm>> -> memref<1x40x128xi32, #tpu.memory_space<hbm>>
      %dma_wait3A_48 = tpu.memref_squeeze %dma_wait3A_47 : memref<1x40x128xi32, #tpu.memory_space<hbm>> -> memref<40x128xi32, #tpu.memory_space<hbm>>
      %dma_wait3A_49 = arith.constant 0 : i32
      %dma_wait3A_50 = arith.constant 0 : i32
      %dma_wait3A_51 = tpu.memref_slice %arg3[%add3A, %dma_wait3A_49, %dma_wait3A_50] : memref<32x40x128xi32, #tpu.memory_space<hbm>> -> memref<1x40x128xi32, #tpu.memory_space<hbm>>
      %dma_wait3A_52 = tpu.memref_squeeze %dma_wait3A_51 : memref<1x40x128xi32, #tpu.memory_space<hbm>> -> memref<40x128xi32, #tpu.memory_space<hbm>>
      tpu.wait_dma2 semaphore(%run_scoped3A : memref<!tpu.dma_semaphore, #tpu.memory_space<semaphore_mem>>) src(%dma_wait3A_52 : memref<40x128xi32, #tpu.memory_space<hbm>>) dst(%arg7 : memref<40x128xi32, #tpu.memory_space<vmem>>)
      tpu.yield
    }) : () -> ()
    %barrier3A = arith.constant 0 : index
    tpu.barrier barrier_id(%barrier3A)
    %scan3A_26 = arith.constant 0 : i32
    %scan3A_27 = arith.constant 40 : i32
    %scan3A_28 = arith.addi %scan3A_26, %scan3A_27 : i32
    %scan3A_29 = arith.constant 1 : i32
    scf.for %scan3A_39 = %scan3A_26 to %scan3A_28 step %scan3A_29  : i32 {
      %mul3A_40 = arith.constant 1 : i32
      %mul3A_41 = arith.muli %scan3A_39, %mul3A_40 : i32
      %add3A_42 = arith.constant 0 : i32
      %add3A_43 = arith.addi %add3A_42, %mul3A_41 : i32
      "tpu.region"() ({
        %run_scoped3A = tpu.sem_alloc : memref<!tpu.dma_semaphore, #tpu.memory_space<semaphore_mem>>
        %dma_start3A = arith.constant 0 : i32
        %dma_start3A_44 = tpu.memref_slice %arg6[%add3A_43, %dma_start3A] : memref<40x128xi32, #tpu.memory_space<vmem>> -> memref<1x128xi32, #tpu.memory_space<vmem>>
        %dma_start3A_45 = tpu.memref_squeeze %dma_start3A_44 : memref<1x128xi32, #tpu.memory_space<vmem>> -> memref<128xi32, #tpu.memory_space<vmem>>
        %dma_start3A_46 = arith.constant 0 : i32
        %dma_start3A_47 = arith.constant 0 : i32
        %dma_start3A_48 = tpu.memref_slice %arg4[%dma_start3A_46, %dma_start3A_47] : memref<10000x128xf32, #tpu.memory_space<hbm>> -> memref<10000x128xf32, #tpu.memory_space<hbm>>
        tpu.enqueue_indirect_dma source(%dma_start3A_48 : memref<10000x128xf32, #tpu.memory_space<hbm>>) target(%arg8 : memref<128x128xf32, #tpu.memory_space<vmem>>) offsets(%dma_start3A_45 : memref<128xi32, #tpu.memory_space<vmem>>) semaphore(%run_scoped3A : memref<!tpu.dma_semaphore, #tpu.memory_space<semaphore_mem>>)
        %dma_wait3A = arith.constant 0 : i32
        %dma_wait3A_49 = tpu.memref_slice %arg6[%add3A_43, %dma_wait3A] : memref<40x128xi32, #tpu.memory_space<vmem>> -> memref<1x128xi32, #tpu.memory_space<vmem>>
        %dma_wait3A_50 = tpu.memref_squeeze %dma_wait3A_49 : memref<1x128xi32, #tpu.memory_space<vmem>> -> memref<128xi32, #tpu.memory_space<vmem>>
        %dma_wait3A_51 = arith.constant 0 : i32
        %dma_wait3A_52 = arith.constant 0 : i32
        %dma_wait3A_53 = tpu.memref_slice %arg4[%dma_wait3A_51, %dma_wait3A_52] : memref<10000x128xf32, #tpu.memory_space<hbm>> -> memref<10000x128xf32, #tpu.memory_space<hbm>>
        tpu.wait_indirect_dma semaphore(%run_scoped3A : memref<!tpu.dma_semaphore, #tpu.memory_space<semaphore_mem>>) src(%dma_wait3A_53 : memref<10000x128xf32, #tpu.memory_space<hbm>>) dst(%arg8 : memref<128x128xf32, #tpu.memory_space<vmem>>)
        tpu.yield
      }) : () -> ()
      "tpu.region"() ({
        %run_scoped3A = tpu.sem_alloc : memref<!tpu.dma_semaphore, #tpu.memory_space<semaphore_mem>>
        %dma_start3A = arith.constant 0 : i32
        %dma_start3A_44 = tpu.memref_slice %arg7[%add3A_43, %dma_start3A] : memref<40x128xi32, #tpu.memory_space<vmem>> -> memref<1x128xi32, #tpu.memory_space<vmem>>
        %dma_start3A_45 = tpu.memref_squeeze %dma_start3A_44 : memref<1x128xi32, #tpu.memory_space<vmem>> -> memref<128xi32, #tpu.memory_space<vmem>>
        %dma_start3A_46 = arith.constant 0 : i32
        %dma_start3A_47 = arith.constant 0 : i32
        %dma_start3A_48 = tpu.memref_slice %arg9[%dma_start3A_46, %dma_start3A_47] : memref<10240x128xf32, #tpu.memory_space<vmem_shared>> -> memref<10240x128xf32, #tpu.memory_space<vmem_shared>>
        tpu.enqueue_indirect_dma source(%arg8 : memref<128x128xf32, #tpu.memory_space<vmem>>) target(%dma_start3A_48 : memref<10240x128xf32, #tpu.memory_space<vmem_shared>>) offsets(%dma_start3A_45 : memref<128xi32, #tpu.memory_space<vmem>>) semaphore(%run_scoped3A : memref<!tpu.dma_semaphore, #tpu.memory_space<semaphore_mem>>) {add = true}
        %dma_wait3A = arith.constant 0 : i32
        %dma_wait3A_49 = tpu.memref_slice %arg7[%add3A_43, %dma_wait3A] : memref<40x128xi32, #tpu.memory_space<vmem>> -> memref<1x128xi32, #tpu.memory_space<vmem>>
        %dma_wait3A_50 = tpu.memref_squeeze %dma_wait3A_49 : memref<1x128xi32, #tpu.memory_space<vmem>> -> memref<128xi32, #tpu.memory_space<vmem>>
        %dma_wait3A_51 = arith.constant 0 : i32
        %dma_wait3A_52 = arith.constant 0 : i32
        %dma_wait3A_53 = tpu.memref_slice %arg9[%dma_wait3A_51, %dma_wait3A_52] : memref<10240x128xf32, #tpu.memory_space<vmem_shared>> -> memref<10240x128xf32, #tpu.memory_space<vmem_shared>>
        tpu.wait_indirect_dma semaphore(%run_scoped3A : memref<!tpu.dma_semaphore, #tpu.memory_space<semaphore_mem>>) src(%arg8 : memref<128x128xf32, #tpu.memory_space<vmem>>) dst(%dma_wait3A_53 : memref<10240x128xf32, #tpu.memory_space<vmem_shared>>)
        tpu.yield
      }) : () -> ()
    }
    %scan3A_30 = arith.constant 40 : i32
    %barrier3A_31 = arith.constant 0 : index
    tpu.barrier barrier_id(%barrier3A_31)
    %mul3A_32 = arith.constant 640 : i32
    %mul3A_33 = arith.muli %arg1, %mul3A_32 : i32
    %mul3A_34 = arith.constant 10240 : i32
    %mul3A_35 = arith.muli %arg0, %mul3A_34 : i32
    %mul3A_36 = arith.constant 640 : i32
    %mul3A_37 = arith.muli %arg1, %mul3A_36 : i32
    %add3A_38 = arith.addi %mul3A_35, %mul3A_37 : i32
    "tpu.region"() ({
      %run_scoped3A = tpu.sem_alloc : memref<!tpu.dma_semaphore, #tpu.memory_space<semaphore_mem>>
      %dma_start3A = arith.constant 0 : i32
      %dma_start3A_39 = tpu.memref_slice %arg5[%add3A_38, %dma_start3A] : memref<20480x128xf32, #tpu.memory_space<hbm>> -> memref<640x128xf32, #tpu.memory_space<hbm>>
      %dma_start3A_40 = arith.constant 0 : i32
      %dma_start3A_41 = tpu.memref_slice %arg9[%mul3A_33, %dma_start3A_40] : memref<10240x128xf32, #tpu.memory_space<vmem_shared>> -> memref<640x128xf32, #tpu.memory_space<vmem_shared>>
      tpu.enqueue_dma source(%dma_start3A_41 : memref<640x128xf32, #tpu.memory_space<vmem_shared>>) target(%dma_start3A_39 : memref<640x128xf32, #tpu.memory_space<hbm>>) target_semaphore(%run_scoped3A : memref<!tpu.dma_semaphore, #tpu.memory_space<semaphore_mem>>)
      %dma_wait3A = arith.constant 0 : i32
      %dma_wait3A_42 = tpu.memref_slice %arg5[%add3A_38, %dma_wait3A] : memref<20480x128xf32, #tpu.memory_space<hbm>> -> memref<640x128xf32, #tpu.memory_space<hbm>>
      %dma_wait3A_43 = arith.constant 0 : i32
      %dma_wait3A_44 = tpu.memref_slice %arg9[%mul3A_33, %dma_wait3A_43] : memref<10240x128xf32, #tpu.memory_space<vmem_shared>> -> memref<640x128xf32, #tpu.memory_space<vmem_shared>>
      tpu.wait_dma2 semaphore(%run_scoped3A : memref<!tpu.dma_semaphore, #tpu.memory_space<semaphore_mem>>) src(%dma_wait3A_44 : memref<640x128xf32, #tpu.memory_space<vmem_shared>>) dst(%dma_wait3A_42 : memref<640x128xf32, #tpu.memory_space<hbm>>)
      tpu.yield
    }) : () -> ()
    return
  }
}

module attributes {stable_mosaic.version = 14 : i64} {
  func.func @_tc_a_body(%arg0: i32, %arg1: memref<1000x256xf32, #tpu.memory_space<vmem>>, %arg2: memref<256x256xf32, #tpu.memory_space<vmem>>, %arg3: memref<2x1000x128xf32, #tpu.memory_space<vmem>>, %arg4: memref<2x1000x128xf32, #tpu.memory_space<vmem>>) attributes {dimension_semantics = [#tpu.dimension_semantics<arbitrary>], iteration_bounds = array<i64: 10>, scalar_prefetch = 0 : i64, scratch_operands = 0 : i64, tpu.core_type = #tpu.core_type<tc>, window_params = [{transform_indices = @transform_0, window_bounds = array<i64: 1000, 256>}, {pipeline_mode = #tpu.pipeline_mode<synchronous>, transform_indices = @transform_1, window_bounds = array<i64: 256, 256>}, {transform_indices = @transform_2, window_bounds = array<i64: 2, 1000, 128>}, {transform_indices = @transform_3, window_bounds = array<i64: 2, 1000, 128>}]} {
    %get3A = arith.constant 0 : index
    %get3A_0 = arith.constant 0 : index
    %get3A_1 = arith.constant 0 : index
    %get3A_2 = vector.load %arg3[%get3A, %get3A_0, %get3A_1] : memref<2x1000x128xf32, #tpu.memory_space<vmem>>, vector<2x1000x128xf32>
    %slice3A = vector.extract_strided_slice %get3A_2 {offsets = [0, 0, 0], sizes = [1, 1000, 1], strides = [1, 1, 1]} : vector<2x1000x128xf32> to vector<1x1000x1xf32>
    %squeeze3A = vector.shape_cast %slice3A : vector<1x1000x1xf32> to vector<1000x1xf32>
    %slice3A_3 = vector.extract_strided_slice %get3A_2 {offsets = [1, 0, 0], sizes = [1, 1000, 1], strides = [1, 1, 1]} : vector<2x1000x128xf32> to vector<1x1000x1xf32>
    %squeeze3A_4 = vector.shape_cast %slice3A_3 : vector<1x1000x1xf32> to vector<1000x1xf32>
    %add3A = arith.addf %squeeze3A, %squeeze3A_4 : vector<1000x1xf32>
    %add3A_5 = arith.constant 1.000000e+00 : f32
    %add3A_6 = vector.broadcast %add3A_5 : f32 to vector<1000x1xf32>
    %add3A_7 = arith.addf %add3A, %add3A_6 : vector<1000x1xf32>
    %rsqrt3A = math.rsqrt %add3A_7 : vector<1000x1xf32>
    %get3A_8 = arith.constant 0 : index
    %get3A_9 = arith.constant 0 : index
    %get3A_10 = vector.load %arg1[%get3A_8, %get3A_9] : memref<1000x256xf32, #tpu.memory_space<vmem>>, vector<1000x256xf32>
    %get3A_11 = arith.constant 0 : index
    %get3A_12 = arith.constant 0 : index
    %get3A_13 = vector.load %arg2[%get3A_11, %get3A_12] : memref<256x256xf32, #tpu.memory_space<vmem>>, vector<256x256xf32>
    %dot_general3A = arith.constant dense<0.000000e+00> : vector<1000x256xf32>
    %dot_general3A_14 = tpu.matmul %get3A_10, %get3A_13, %dot_general3A {dimension_numbers = #tpu.dot_dimension_numbers<[1], [0], [0], [1], [0, 0, 1, 1], [], []>, transpose_lhs_hint = false} : vector<1000x256xf32>, vector<256x256xf32>, vector<1000x256xf32> -> vector<1000x256xf32>
    %mul3A = vector.broadcast %rsqrt3A : vector<1000x1xf32> to vector<1000x256xf32>
    %mul3A_15 = arith.mulf %dot_general3A_14, %mul3A : vector<1000x256xf32>
    %slice3A_16 = vector.extract_strided_slice %mul3A_15 {offsets = [0, 0], sizes = [1000, 128], strides = [1, 1]} : vector<1000x256xf32> to vector<1000x128xf32>
    %swap3A = arith.constant 0 : index
    %swap3A_17 = arith.constant 0 : index
    %swap3A_18 = arith.constant 0 : index
    %swap3A_19 = vector.load %arg4[%swap3A, %swap3A_17, %swap3A_18] : memref<2x1000x128xf32, #tpu.memory_space<vmem>>, vector<1x1000x128xf32>
    %swap3A_20 = vector.shape_cast %swap3A_19 : vector<1x1000x128xf32> to vector<1000x128xf32>
    %swap3A_21 = vector.shape_cast %slice3A_16 : vector<1000x128xf32> to vector<1x1000x128xf32>
    tpu.vector_store %arg4[%swap3A, %swap3A_17, %swap3A_18], %swap3A_21 {strides = array<i32>} : memref<2x1000x128xf32, #tpu.memory_space<vmem>>, vector<1x1000x128xf32>,
    %slice3A_22 = vector.extract_strided_slice %mul3A_15 {offsets = [0, 128], sizes = [1000, 128], strides = [1, 1]} : vector<1000x256xf32> to vector<1000x128xf32>
    %swap3A_23 = arith.constant 1 : index
    %swap3A_24 = arith.constant 0 : index
    %swap3A_25 = arith.constant 0 : index
    %swap3A_26 = vector.load %arg4[%swap3A_23, %swap3A_24, %swap3A_25] : memref<2x1000x128xf32, #tpu.memory_space<vmem>>, vector<1x1000x128xf32>
    %swap3A_27 = vector.shape_cast %swap3A_26 : vector<1x1000x128xf32> to vector<1000x128xf32>
    %swap3A_28 = vector.shape_cast %slice3A_22 : vector<1000x128xf32> to vector<1x1000x128xf32>
    tpu.vector_store %arg4[%swap3A_23, %swap3A_24, %swap3A_25], %swap3A_28 {strides = array<i32>} : memref<2x1000x128xf32, #tpu.memory_space<vmem>>, vector<1x1000x128xf32>,
    return
  }
  func.func @transform_0(%arg0: i32) -> (i32, i32) {
    %c0_i32 = arith.constant 0 : i32
    %c0_i32_0 = arith.constant 0 : i32
    return %arg0, %c0_i32 : i32, i32
  }
  func.func @transform_1(%arg0: i32) -> (i32, i32) {
    %c0_i32 = arith.constant 0 : i32
    %c0_i32_0 = arith.constant 0 : i32
    %c0_i32_1 = arith.constant 0 : i32
    return %c0_i32, %c0_i32_0 : i32, i32
  }
  func.func @transform_2(%arg0: i32) -> (i32, i32, i32) {
    %c0_i32 = arith.constant 0 : i32
    %c0_i32_0 = arith.constant 0 : i32
    %c0_i32_1 = arith.constant 0 : i32
    return %c0_i32, %arg0, %c0_i32_0 : i32, i32, i32
  }
  func.func @transform_3(%arg0: i32) -> (i32, i32, i32) {
    %c0_i32 = arith.constant 0 : i32
    %c0_i32_0 = arith.constant 0 : i32
    %c0_i32_1 = arith.constant 0 : i32
    return %c0_i32, %arg0, %c0_i32_0 : i32, i32, i32
  }
}

module attributes {stable_mosaic.version = 14 : i64} {
  func.func @_tc_b_body(%arg0: i32, %arg1: memref<2x1000x128xf32, #tpu.memory_space<vmem>>, %arg2: memref<2x1000x128xf32, #tpu.memory_space<vmem>>, %arg3: memref<2x1000x128xf32, #tpu.memory_space<vmem>>, %arg4: memref<1x256xf32, #tpu.memory_space<vmem>>, %arg5: memref<256x64xf32, #tpu.memory_space<vmem>>, %arg6: memref<1000x128xf32, #tpu.memory_space<vmem>>) attributes {dimension_semantics = [#tpu.dimension_semantics<arbitrary>], iteration_bounds = array<i64: 10>, scalar_prefetch = 0 : i64, scratch_operands = 0 : i64, tpu.core_type = #tpu.core_type<tc>, window_params = [{transform_indices = @transform_0, window_bounds = array<i64: 2, 1000, 128>}, {transform_indices = @transform_1, window_bounds = array<i64: 2, 1000, 128>}, {transform_indices = @transform_2, window_bounds = array<i64: 2, 1000, 128>}, {pipeline_mode = #tpu.pipeline_mode<synchronous>, transform_indices = @transform_3, window_bounds = array<i64: 1, 256>}, {pipeline_mode = #tpu.pipeline_mode<synchronous>, transform_indices = @transform_4, window_bounds = array<i64: 256, 64>}, {transform_indices = @transform_5, window_bounds = array<i64: 1000, 128>}]} {
    %get3A = arith.constant 0 : index
    %get3A_0 = arith.constant 0 : index
    %get3A_1 = arith.constant 0 : index
    %get3A_2 = vector.load %arg3[%get3A, %get3A_0, %get3A_1] : memref<2x1000x128xf32, #tpu.memory_space<vmem>>, vector<2x1000x128xf32>
    %slice3A = vector.extract_strided_slice %get3A_2 {offsets = [0, 0, 0], sizes = [1, 1000, 1], strides = [1, 1, 1]} : vector<2x1000x128xf32> to vector<1x1000x1xf32>
    %squeeze3A = vector.shape_cast %slice3A : vector<1x1000x1xf32> to vector<1000x1xf32>
    %slice3A_3 = vector.extract_strided_slice %get3A_2 {offsets = [1, 0, 0], sizes = [1, 1000, 1], strides = [1, 1, 1]} : vector<2x1000x128xf32> to vector<1x1000x1xf32>
    %squeeze3A_4 = vector.shape_cast %slice3A_3 : vector<1x1000x1xf32> to vector<1000x1xf32>
    %add3A = arith.addf %squeeze3A, %squeeze3A_4 : vector<1000x1xf32>
    %add3A_5 = arith.constant 1.000000e+00 : f32
    %add3A_6 = vector.broadcast %add3A_5 : f32 to vector<1000x1xf32>
    %add3A_7 = arith.addf %add3A, %add3A_6 : vector<1000x1xf32>
    %rsqrt3A = math.rsqrt %add3A_7 : vector<1000x1xf32>
    %get3A_8 = arith.constant 0 : index
    %get3A_9 = arith.constant 0 : index
    %get3A_10 = arith.constant 0 : index
    %get3A_11 = vector.load %arg1[%get3A_8, %get3A_9, %get3A_10] : memref<2x1000x128xf32, #tpu.memory_space<vmem>>, vector<1x1000x128xf32>
    %get3A_12 = vector.shape_cast %get3A_11 : vector<1x1000x128xf32> to vector<1000x128xf32>
    %get3A_13 = arith.constant 0 : index
    %get3A_14 = arith.constant 0 : index
    %get3A_15 = arith.constant 0 : index
    %get3A_16 = vector.load %arg2[%get3A_13, %get3A_14, %get3A_15] : memref<2x1000x128xf32, #tpu.memory_space<vmem>>, vector<1x1000x128xf32>
    %get3A_17 = vector.shape_cast %get3A_16 : vector<1x1000x128xf32> to vector<1000x128xf32>
    %add3A_18 = arith.addf %get3A_12, %get3A_17 : vector<1000x128xf32>
    %get3A_19 = arith.constant 1 : index
    %get3A_20 = arith.constant 0 : index
    %get3A_21 = arith.constant 0 : index
    %get3A_22 = vector.load %arg1[%get3A_19, %get3A_20, %get3A_21] : memref<2x1000x128xf32, #tpu.memory_space<vmem>>, vector<1x1000x128xf32>
    %get3A_23 = vector.shape_cast %get3A_22 : vector<1x1000x128xf32> to vector<1000x128xf32>
    %get3A_24 = arith.constant 1 : index
    %get3A_25 = arith.constant 0 : index
    %get3A_26 = arith.constant 0 : index
    %get3A_27 = vector.load %arg2[%get3A_24, %get3A_25, %get3A_26] : memref<2x1000x128xf32, #tpu.memory_space<vmem>>, vector<1x1000x128xf32>
    %get3A_28 = vector.shape_cast %get3A_27 : vector<1x1000x128xf32> to vector<1000x128xf32>
    %add3A_29 = arith.addf %get3A_23, %get3A_28 : vector<1000x128xf32>
    %concatenate3A = tpu.concatenate %add3A_18, %add3A_29 in 1 : vector<1000x128xf32>, vector<1000x128xf32> -> vector<1000x256xf32>
    %mul3A = vector.broadcast %rsqrt3A : vector<1000x1xf32> to vector<1000x256xf32>
    %mul3A_30 = arith.mulf %concatenate3A, %mul3A : vector<1000x256xf32>
    %get3A_31 = arith.constant 0 : index
    %get3A_32 = arith.constant 0 : index
    %get3A_33 = vector.load %arg4[%get3A_31, %get3A_32] : memref<1x256xf32, #tpu.memory_space<vmem>>, vector<1x256xf32>
    %add3A_34 = vector.broadcast %get3A_33 : vector<1x256xf32> to vector<1000x256xf32>
    %add3A_35 = arith.addf %mul3A_30, %add3A_34 : vector<1000x256xf32>
    %max3A = arith.constant 0.000000e+00 : f32
    %max3A_36 = vector.broadcast %max3A : f32 to vector<1000x256xf32>
    %max3A_37 = arith.maximumf %add3A_35, %max3A_36 : vector<1000x256xf32>
    %get3A_38 = arith.constant 0 : index
    %get3A_39 = arith.constant 0 : index
    %get3A_40 = vector.load %arg5[%get3A_38, %get3A_39] : memref<256x64xf32, #tpu.memory_space<vmem>>, vector<256x64xf32>
    %dot_general3A = arith.constant dense<0.000000e+00> : vector<1000x64xf32>
    %dot_general3A_41 = tpu.matmul %max3A_37, %get3A_40, %dot_general3A {dimension_numbers = #tpu.dot_dimension_numbers<[1], [0], [0], [1], [0, 0, 1, 1], [], []>, transpose_lhs_hint = false} : vector<1000x256xf32>, vector<256x64xf32>, vector<1000x64xf32> -> vector<1000x64xf32>
    %mul3A_42 = vector.broadcast %rsqrt3A : vector<1000x1xf32> to vector<1000x64xf32>
    %mul3A_43 = arith.mulf %dot_general3A_41, %mul3A_42 : vector<1000x64xf32>
    %broadcast_in_dim3A = arith.constant 0.000000e+00 : f32
    %broadcast_in_dim3A_44 = vector.broadcast %broadcast_in_dim3A : f32 to vector<1000x64xf32>
    %concatenate3A_45 = tpu.concatenate %mul3A_43, %broadcast_in_dim3A_44 in 1 : vector<1000x64xf32>, vector<1000x64xf32> -> vector<1000x128xf32>
    %swap3A = arith.constant 0 : index
    %swap3A_46 = arith.constant 0 : index
    %swap3A_47 = vector.load %arg6[%swap3A, %swap3A_46] : memref<1000x128xf32, #tpu.memory_space<vmem>>, vector<1000x128xf32>
    tpu.vector_store %arg6[%swap3A, %swap3A_46], %concatenate3A_45 {strides = array<i32>} : memref<1000x128xf32, #tpu.memory_space<vmem>>, vector<1000x128xf32>,
    return
  }
  func.func @transform_0(%arg0: i32) -> (i32, i32, i32) {
    %c0_i32 = arith.constant 0 : i32
    %c0_i32_0 = arith.constant 0 : i32
    %c0_i32_1 = arith.constant 0 : i32
    return %c0_i32, %arg0, %c0_i32_0 : i32, i32, i32
  }
  func.func @transform_1(%arg0: i32) -> (i32, i32, i32) {
    %c0_i32 = arith.constant 0 : i32
    %c0_i32_0 = arith.constant 0 : i32
    %c0_i32_1 = arith.constant 0 : i32
    return %c0_i32, %arg0, %c0_i32_0 : i32, i32, i32
  }
  func.func @transform_2(%arg0: i32) -> (i32, i32, i32) {
    %c0_i32 = arith.constant 0 : i32
    %c0_i32_0 = arith.constant 0 : i32
    %c0_i32_1 = arith.constant 0 : i32
    return %c0_i32, %arg0, %c0_i32_0 : i32, i32, i32
  }
  func.func @transform_3(%arg0: i32) -> (i32, i32) {
    %c0_i32 = arith.constant 0 : i32
    %c0_i32_0 = arith.constant 0 : i32
    %c0_i32_1 = arith.constant 0 : i32
    return %c0_i32, %c0_i32_0 : i32, i32
  }
  func.func @transform_4(%arg0: i32) -> (i32, i32) {
    %c0_i32 = arith.constant 0 : i32
    %c0_i32_0 = arith.constant 0 : i32
    %c0_i32_1 = arith.constant 0 : i32
    return %c0_i32, %c0_i32_0 : i32, i32
  }
  func.func @transform_5(%arg0: i32) -> (i32, i32) {
    %c0_i32 = arith.constant 0 : i32
    %c0_i32_0 = arith.constant 0 : i32
    return %arg0, %c0_i32 : i32, i32
  }
}

module attributes {stable_mosaic.version = 14 : i64} {
  func.func @_tc_c_body(%arg0: i32, %arg1: memref<2x1000x128xf32, #tpu.memory_space<vmem>>, %arg2: memref<1000x128xf32, #tpu.memory_space<vmem>>, %arg3: memref<2x1000x128xf32, #tpu.memory_space<vmem>>, %arg4: memref<1x64xf32, #tpu.memory_space<vmem>>, %arg5: memref<1000x64xf32, #tpu.memory_space<vmem>>) attributes {dimension_semantics = [#tpu.dimension_semantics<arbitrary>], iteration_bounds = array<i64: 10>, scalar_prefetch = 0 : i64, scratch_operands = 0 : i64, tpu.core_type = #tpu.core_type<tc>, window_params = [{transform_indices = @transform_0, window_bounds = array<i64: 2, 1000, 128>}, {transform_indices = @transform_1, window_bounds = array<i64: 1000, 128>}, {transform_indices = @transform_2, window_bounds = array<i64: 2, 1000, 128>}, {pipeline_mode = #tpu.pipeline_mode<synchronous>, transform_indices = @transform_3, window_bounds = array<i64: 1, 64>}, {transform_indices = @transform_4, window_bounds = array<i64: 1000, 64>}]} {
    %get3A = arith.constant 0 : index
    %get3A_0 = arith.constant 0 : index
    %get3A_1 = arith.constant 0 : index
    %get3A_2 = vector.load %arg3[%get3A, %get3A_0, %get3A_1] : memref<2x1000x128xf32, #tpu.memory_space<vmem>>, vector<2x1000x128xf32>
    %slice3A = vector.extract_strided_slice %get3A_2 {offsets = [0, 0, 0], sizes = [1, 1000, 1], strides = [1, 1, 1]} : vector<2x1000x128xf32> to vector<1x1000x1xf32>
    %squeeze3A = vector.shape_cast %slice3A : vector<1x1000x1xf32> to vector<1000x1xf32>
    %slice3A_3 = vector.extract_strided_slice %get3A_2 {offsets = [1, 0, 0], sizes = [1, 1000, 1], strides = [1, 1, 1]} : vector<2x1000x128xf32> to vector<1x1000x1xf32>
    %squeeze3A_4 = vector.shape_cast %slice3A_3 : vector<1x1000x1xf32> to vector<1000x1xf32>
    %add3A = arith.addf %squeeze3A, %squeeze3A_4 : vector<1000x1xf32>
    %add3A_5 = arith.constant 1.000000e+00 : f32
    %add3A_6 = vector.broadcast %add3A_5 : f32 to vector<1000x1xf32>
    %add3A_7 = arith.addf %add3A, %add3A_6 : vector<1000x1xf32>
    %rsqrt3A = math.rsqrt %add3A_7 : vector<1000x1xf32>
    %get3A_8 = arith.constant 0 : index
    %get3A_9 = arith.constant 0 : index
    %get3A_10 = arith.constant 0 : index
    %get3A_11 = vector.load %arg1[%get3A_8, %get3A_9, %get3A_10] : memref<2x1000x128xf32, #tpu.memory_space<vmem>>, vector<1x1000x64xf32>
    %get3A_12 = vector.shape_cast %get3A_11 : vector<1x1000x64xf32> to vector<1000x64xf32>
    %get3A_13 = arith.constant 1 : index
    %get3A_14 = arith.constant 0 : index
    %get3A_15 = arith.constant 0 : index
    %get3A_16 = vector.load %arg1[%get3A_13, %get3A_14, %get3A_15] : memref<2x1000x128xf32, #tpu.memory_space<vmem>>, vector<1x1000x64xf32>
    %get3A_17 = vector.shape_cast %get3A_16 : vector<1x1000x64xf32> to vector<1000x64xf32>
    %add3A_18 = arith.addf %get3A_12, %get3A_17 : vector<1000x64xf32>
    %get3A_19 = arith.constant 0 : index
    %get3A_20 = arith.constant 0 : index
    %get3A_21 = vector.load %arg2[%get3A_19, %get3A_20] : memref<1000x128xf32, #tpu.memory_space<vmem>>, vector<1000x64xf32>
    %add3A_22 = arith.addf %add3A_18, %get3A_21 : vector<1000x64xf32>
    %mul3A = vector.broadcast %rsqrt3A : vector<1000x1xf32> to vector<1000x64xf32>
    %mul3A_23 = arith.mulf %add3A_22, %mul3A : vector<1000x64xf32>
    %get3A_24 = arith.constant 0 : index
    %get3A_25 = arith.constant 0 : index
    %get3A_26 = vector.load %arg4[%get3A_24, %get3A_25] : memref<1x64xf32, #tpu.memory_space<vmem>>, vector<1x64xf32>
    %add3A_27 = vector.broadcast %get3A_26 : vector<1x64xf32> to vector<1000x64xf32>
    %add3A_28 = arith.addf %mul3A_23, %add3A_27 : vector<1000x64xf32>
    %reduce_max3A = arith.constant dense<0xFF800000> : vector<1000xf32>
    %reduce_max3A_29 = vector.multi_reduction <maximumf>, %add3A_28, %reduce_max3A [1] : vector<1000x64xf32> to vector<1000xf32>
    %broadcast_in_dim3A = vector.shape_cast %reduce_max3A_29 : vector<1000xf32> to vector<1000x1xf32>
    %sub3A = vector.broadcast %broadcast_in_dim3A : vector<1000x1xf32> to vector<1000x64xf32>
    %sub3A_30 = arith.subf %add3A_28, %sub3A : vector<1000x64xf32>
    %exp3A = math.exp %sub3A_30 : vector<1000x64xf32>
    %reduce_sum3A = arith.constant dense<0.000000e+00> : vector<1000xf32>
    %reduce_sum3A_31 = vector.multi_reduction <add>, %exp3A, %reduce_sum3A [1] : vector<1000x64xf32> to vector<1000xf32>
    %broadcast_in_dim3A_32 = vector.shape_cast %reduce_sum3A_31 : vector<1000xf32> to vector<1000x1xf32>
    %log3A = math.log %broadcast_in_dim3A_32 : vector<1000x1xf32>
    %sub3A_33 = vector.broadcast %log3A : vector<1000x1xf32> to vector<1000x64xf32>
    %sub3A_34 = arith.subf %sub3A_30, %sub3A_33 : vector<1000x64xf32>
    %swap3A = arith.constant 0 : index
    %swap3A_35 = arith.constant 0 : index
    %swap3A_36 = vector.load %arg5[%swap3A, %swap3A_35] : memref<1000x64xf32, #tpu.memory_space<vmem>>, vector<1000x64xf32>
    tpu.vector_store %arg5[%swap3A, %swap3A_35], %sub3A_34 {strides = array<i32>} : memref<1000x64xf32, #tpu.memory_space<vmem>>, vector<1000x64xf32>,
    return
  }
  func.func @transform_0(%arg0: i32) -> (i32, i32, i32) {
    %c0_i32 = arith.constant 0 : i32
    %c0_i32_0 = arith.constant 0 : i32
    %c0_i32_1 = arith.constant 0 : i32
    return %c0_i32, %arg0, %c0_i32_0 : i32, i32, i32
  }
  func.func @transform_1(%arg0: i32) -> (i32, i32) {
    %c0_i32 = arith.constant 0 : i32
    %c0_i32_0 = arith.constant 0 : i32
    return %arg0, %c0_i32 : i32, i32
  }
  func.func @transform_2(%arg0: i32) -> (i32, i32, i32) {
    %c0_i32 = arith.constant 0 : i32
    %c0_i32_0 = arith.constant 0 : i32
    %c0_i32_1 = arith.constant 0 : i32
    return %c0_i32, %arg0, %c0_i32_0 : i32, i32, i32
  }
  func.func @transform_3(%arg0: i32) -> (i32, i32) {
    %c0_i32 = arith.constant 0 : i32
    %c0_i32_0 = arith.constant 0 : i32
    %c0_i32_1 = arith.constant 0 : i32
    return %c0_i32, %c0_i32_0 : i32, i32
  }
  func.func @transform_4(%arg0: i32) -> (i32, i32) {
    %c0_i32 = arith.constant 0 : i32
    %c0_i32_0 = arith.constant 0 : i32
    return %arg0, %c0_i32 : i32, i32
  }
}

</mosaic_0001>

<sc_bundles>
// kernel: kernel.11.cloned.1.call-start
scs
__scs_entry_jumppad:
0x0: {  	(pc) =	sbr.rel $0x88, $3  }
0x1: {  	(tag) =	ssettag $0x0;
	lr =	simm.s32 $0x1  }
0x2: {  	[smem:$0x3F9B] =	sst lr;
	_ =	strace $0xD0000000  }
0x3: {  	_ = 	snop  }
0x4: {  	_ = 	snop  }
0x5: {  	_ = 	snop  }
0x6: {  	_ = 	snop  }
0x7: {  	_ = 	snop  }
__scs_overlays_trampoline_lowered:
0x8: {  	[smem:$0x3FAA] =	sst s0  }
0x9: {  	[smem:$0x3FAB] =	sst s1  }
0xa: {  	[smem:$0x3FAC] =	sst s2  }
0xb: {  	[smem:$0x3FAD] =	sst s3  }
0xc: {  	[smem:$0x3FAE] =	sst s4  }
0xd: {  	[smem:$0x3FAF] =	sst s5  }
0xe: {  	[smem:$0x3FB0] =	sst s6  }
0xf: {  	[smem:$0x3FB1] =	sst s7  }
0x10: {  	[smem:$0x3FB2] =	sst s8  }
0x11: {  	[smem:$0x3FB3] =	sst s9;
	s0 =	simm.s32 @!p0 $0x0  }
0x12: {  	s1 =	sld [smem:$0x3F99];
	s0 =	simm.s32 @p0 $0x1  }
0x13: {  	[smem:$0x3FB4] =	sst s0;
	s0 =	simm.s32 @!p1 $0x0  }
0x14: {  	s2 =	sld [smem:$0x3F98];
	s0 =	simm.s32 @p1 $0x1  }
0x15: {  	[smem:$0x3FB5] =	sst s0;
	s0 =	simm.s32 @!p2 $0x0  }
0x16: {  	s3 =	sld [smem:$0x3FDB];
	s0 =	simm.s32 @p2 $0x1  }
0x17: {  	s4 =	simm.s32 $0x1BF5;
	[smem:$0x3FB7] =	sst s0  }
0x18: {  	s0 =	sld [smem:$0x3F9A];
	_ =	swait.ge [sflag:s4], $0x0  }
0x19: {  	s7 =	sld [smem:$0x3F9B]  }
0x1a: {  	s8 =	sadd.s32 $0xFFFFE003, lr  }
0x1b: {  	s9 =	sadd.s32 $0xFFFFFEF7, lr;
	s5 =	simm.s32 $0xFFFFFFFF;
	p2 =	slt.u32 s8, $0xFFFFF086  }
0x1c: {  	p1 =	slt.u32 s9, $0xF7A;
	s5 =	simm.s32 @!p2 $0x0  }
0x1d: {  	s5 =	simm.s32 @p1 $0x1;
	p0 =	seq.s32 s7, s2  }
0x1e: {  	s7 =	smul.u32 @!p0 $0xF7A, s2;
	p2 =	seq.s32 @!p0 s5, $0x0  }
0x1f: {  	s9 =	smul.u32 $0xF7A, s1;
	s8 =	simm.s32 @!p0 $0x1BF5;
	p2 =	por !p2, p0  }
0x20: {  	[sflag:s8] =	ssyncset.s32 @!p0 $0xFFFFF086;
	s6 =	sadd.s32 @!p0 s3, s7;
	s7 =	simm.s32 @!p0 $0x108  }
0x21: {  	s3 =	sadd.s32 s3, s9;
	s6 =	sadd.s32 @!p0 $0x88, s6;
	s7 =	simm.s32 @p2 $0x1082  }
0x22: {  	[simem:s7], [sflag:s8] =	dma.local @!p0 [hbm:s6], $0xF7A  }
0x23: {  	s9 =	sor.u32 $0xD0000000, s2;
	s6 =	simm.s32 $0x108;
	_ =	swait.ge @!p0 [sflag:s8], $0x0  }
0x24: {  	s3 =	sadd.s32 $0x88, s3;
	s6 =	simm.s32 @!p1 $0x1082;
	[sflag:s4] =	ssyncset.s32 $0xFFFFF086  }
0x25: {  	[simem:s6], [sflag:s4] =	dma.local [hbm:s3], $0xF7A  }
0x26: {  	[smem:$0x3F9B] =	sst s1;
	(tag) =	ssettag s2;
	_ =	strace s9  }
0x27: {  	s1 =	sld [smem:$0x3FAB]  }
0x28: {  	s2 =	sld [smem:$0x3FAC]  }
0x29: {  	s4 =	sld [smem:$0x3FAE]  }
0x2a: {  	p0 =	seq.s32 s5, $0x0;
	s5 =	sld [smem:$0x3FAF]  }
0x2b: {  	s6 =	sld [smem:$0x3FB0]  }
0x2c: {  	s7 =	sld [smem:$0x3FB1]  }
0x2d: {  	s3 =	simm.s32 $0x108;
	s8 =	sld [smem:$0x3FB2]  }
0x2e: {  	s3 =	simm.s32 @!p0 $0x1082;
	s9 =	sld [smem:$0x3FB3]  }
0x2f: {  	lr =	sadd.s32 s0, s3;
	s0 =	sld [smem:$0x3FAA]  }
0x30: {  	s3 =	sld [smem:$0x3FAD]  }
0x31: {  	[smem:$0x3FB6] =	sst s10  }
0x32: {  	s10 =	sld [smem:$0x3FB4];
	_ =	sdelay $0x3  }
0x33: {  	p0 =	seq.s32 s10, $0x1;
	s10 =	sld [smem:$0x3FB6];
	_ =	sdelay $0x3  }
0x34: {  	[smem:$0x3FB6] =	sst s10  }
0x35: {  	s10 =	sld [smem:$0x3FB5];
	_ =	sdelay $0x3  }
0x36: {  	p1 =	seq.s32 s10, $0x1;
	s10 =	sld [smem:$0x3FB6];
	_ =	sdelay $0x3  }
0x37: {  	[smem:$0x3FB6] =	sst s10  }
0x38: {  	s10 =	sld [smem:$0x3FB7]  }
0x39: {  	_ = 	snop;
	(pc) =	sbr.ind lr, $3  }
0x3a: {  	_ = 	snop  }
0x3b: {  	_ = 	snop  }
0x3c: {  	p2 =	seq.s32 s10, $0x1;
	s10 =	sld [smem:$0x3FB6]  }
0x3d: {  	_ =	shalt  }
0x3e: {  	_ =	shalt  }
0x3f: {  	_ =	shalt  }
0x40: {  	_ =	shalt  }
0x41: {  	_ =	shalt  }
0x42: {  	_ =	shalt  }
0x43: {  	_ =	shalt  }
0x44: {  	_ =	shalt  }
0x45: {  	_ =	shalt  }
0x46: {  	_ =	shalt  }
0x47: {  	_ =	shalt  }
0x48: {  	_ =	shalt  }
0x49: {  	_ =	shalt  }
0x4a: {  	_ =	shalt  }
0x4b: {  	_ =	shalt  }
0x4c: {  	_ =	shalt  }
0x4d: {  	_ =	shalt  }
0x4e: {  	_ =	shalt  }
0x4f: {  	_ =	shalt  }
0x50: {  	_ =	shalt  }
0x51: {  	_ =	shalt  }
0x52: {  	_ =	shalt  }
0x53: {  	_ =	shalt  }
0x54: {  	_ =	shalt  }
0x55: {  	_ =	shalt  }
0x56: {  	_ =	shalt  }
0x57: {  	_ =	shalt  }
0x58: {  	_ =	shalt  }
0x59: {  	_ =	shalt  }
0x5a: {  	_ =	shalt  }
0x5b: {  	_ =	shalt  }
0x5c: {  	_ =	shalt  }
0x5d: {  	_ =	shalt  }
0x5e: {  	_ =	shalt  }
0x5f: {  	_ =	shalt  }
0x60: {  	_ =	shalt  }
0x61: {  	_ =	shalt  }
0x62: {  	_ =	shalt  }
0x63: {  	_ =	shalt  }
0x64: {  	_ =	shalt  }
0x65: {  	_ =	shalt  }
0x66: {  	_ =	shalt  }
0x67: {  	_ =	shalt  }
0x68: {  	_ =	shalt  }
0x69: {  	_ =	shalt  }
0x6a: {  	_ =	shalt  }
0x6b: {  	_ =	shalt  }
0x6c: {  	_ =	shalt  }
0x6d: {  	_ =	shalt  }
0x6e: {  	_ =	shalt  }
0x6f: {  	_ =	shalt  }
0x70: {  	_ =	shalt  }
0x71: {  	_ =	shalt  }
0x72: {  	_ =	shalt  }
0x73: {  	_ =	shalt  }
0x74: {  	_ =	shalt  }
0x75: {  	_ =	shalt  }
0x76: {  	_ =	shalt  }
0x77: {  	_ =	shalt  }
0x78: {  	_ =	shalt  }
0x79: {  	_ =	shalt  }
0x7a: {  	_ =	shalt  }
0x7b: {  	_ =	shalt  }
0x7c: {  	_ =	shalt  }
0x7d: {  	_ =	shalt  }
0x7e: {  	_ =	shalt  }
0x7f: {  	_ =	shalt  }
0x80: {  	_ =	shalt  }
0x81: {  	_ =	shalt  }
0x82: {  	_ =	shalt  }
0x83: {  	_ =	shalt  }
0x84: {  	_ =	shalt  }
0x85: {  	_ =	shalt  }
0x86: {  	_ =	shalt  }
0x87: {  	_ =	shalt  }
.Lfunc_end0:
.L_simem_size_0:
called_computation.1_lowered:
.L_overlay_start_0:
0x88: {  	s2 =	sld [smem:$0x3FD9]  }
0x89: {  	s3 =	sld [smem:$0x3FFE];
	_ =	sdelay $0x1  }
0x8a: {  	s1 =	srdreg.scid  }
0x8b: {  	s0 =	sand.u32 $0x1, s1  }
0x8c: {  	s17 =	sshll.u32 s0, $0xA;
	s2 =	sadd.s32 s3, s2  }
0x8d: {  	s2 =	sadd.s32 s2, s17  }
0x8e: {  	[smem:$0x3FC2] =	sst s2  }
0x8f: {  	_ = 	snop  }
0x90: {  	s2 =	sld [smem:$0x3FD0];
	(tm) =	ssettm $0x1  }
0x91: {  	s18 =	sld [smem:$0x3FFB];
	_ =	sdelay $0x3  }
0x92: {  	_ =	strace s18  }
0x93: {  	s3 =	sld [smem:$0x3FFC];
	_ =	sdelay $0x3  }
0x94: {  	_ =	strace s3  }
0x95: {  	s3 =	sld [smem:$0x3FFD];
	_ =	sdelay $0x3  }
0x96: {  	_ =	strace s3  }
0x97: {  	_ =	strace $0x8FFFFFFF  }
0x98: {  	s19 =	sld [smem:$0x3FDB];
	_ =	sdelay $0x1  }
0x99: {  	s4 =	simm.s32 $_scs_section_size  }
0x9a: {  	s5 =	simm.s32 $_size__tile_overlayer_lowered;
	s6 =	simm.s32 $_tile_overlayer_lowered  }
0x9b: {  	s22 =	simm.s32 $0x1BFF;
	s21 =	sshll.u32 s6, $0x1;
	s3 =	sadd.s32 s4, s19  }
0x9c: {  	s7 =	simm.s32 $0x0;
	s20 =	sshll.u32 s5, $0x1;
	s5 =	sadd.s32 s21, s3  }
0x9d: {  	[timem:s7], [sflag:s22] =	dma.local [hbm:s5], s20  }
0x9e: {  	_ =	swait.ge [sflag:s22], s20  }
0x9f: {  	s4 =	ssub.s32 $0x0, s20;
	[sflag:s22] =	ssyncset.done $0x0  }
0xa0: {  	[sflag:s22] =	ssyncadd.s32 s4;
	_ =	sdelay $0x1  }
0xa1: {  	s23 =	simm.s32 $0x1B8B  }
0xa2: {  	_ =	swait.ge [sflag:s23], $0x1  }
0xa3: {  	[sflag:s23] =	ssyncset.done $0x0  }
0xa4: {  	s25 =	simm.s32 $0x1B8E;
	s24 =	sld [smem:$0x3FFE];
	[sflag:s23] =	ssyncadd.s32 $0xFFFFFFFF  }
0xa5: {  	s26 =	simm.s32 $execute0_lowered;
	[smem:$0x3FD2] =	sst s25  }
0xa6: {  	s5 =	sshll.u32 s26, $0x1;
	_ =	strace $0x80000049;
	[dreg:$0x1] =	wrdreg $0xFFFFFFFF  }
0xa7: {  	s28 =	simm.s32 $_size_execute0_lowered;
	s3 =	sadd.s32 s3, s5;
	[dreg:$0x0] =	wrdreg $0x0  }
0xa8: {  	s5 =	sshll.u32 s28, $0x1;
	[dreg:$0x2] =	wrdreg s3  }
0xa9: {  	[dreg:$0x3] =	wrdreg s5  }
0xaa: {  	[dreg:$0x4] =	wrdreg $0xC0  }
0xab: {  	_ =	task [dreg:s7], $0x5FFFF  }
0xac: {  	[dreg:$0x1] =	wrdreg $0xFFFFFFFF  }
0xad: {  	[dreg:$0x0] =	wrdreg $0x60  }
0xae: {  	[dreg:$0x2] =	wrdreg s2  }
0xaf: {  	[dreg:$0x3] =	wrdreg s24  }
0xb0: {  	[dreg:$0x4] =	wrdreg $0x90000  }
0xb1: {  	[dreg:$0x5] =	wrdreg $0x9  }
0xb2: {  	_ =	task.clear_ibuf [dreg:s7], $0x6FFFF;
	_ =	strace $0x90000049  }
0xb3: {  	s29 =	simm.s32 $0x9;
	_ =	strace $0x8000004B  }
0xb4: {  	_ =	swait.ge [sflag:s29], $0x1  }
0xb5: {  	[sflag:s29] =	ssyncadd.s32 $0xFFFFFFFF  }
0xb6: {  	_ =	strace $0x9000004B  }
0xb7: {  	_ =	sfence  }
0xb8: {  	s30 =	sld [smem:$0x0];
	_ =	sdelay $0x2  }
0xb9: {  	s31 =	sshll.u32 s1, $0xD;
	s1 =	sshrl.u32 s1, $0x2  }
0xba: {  	s3 =	sand.u32 $0x4000, s31;
	s1 =	sadd.s32 s1, s30  }
0xbb: {  	s0 =	sor.u32 s3, s0;
	s1 =	sshll.u32 s1, $0x11  }
0xbc: {  	s0 =	sor.u32 s1, s0  }
0xbd: {  	s0 =	sadd.s32 $0x8F2B, s0  }
0xbe: {  	[sflag:s0] =	ssyncadd.remote.s32 $0x1  }
0xbf: {  	_ =	sfence.sel $0xFFFF  }
0xc0: {  	[dreg:$0x0] =	wrdreg $0xFFFFFFFF;
	(pc) =	sbr.abs _section_cstart, $3  }
0xc1: {  	[dreg:$0x1] =	wrdreg $0xFFFFFFFF  }
0xc2: {  	_ =	task.clear_ibuf [dreg:s7], $0x2FFFF;
	_ =	strace $0x9FFFFFFF  }
0xc3: {  	(tm) =	ssettm $0x7FFFFFFF  }
tec
execute0_lowered:
.L_overlay_start_1:
0x0: {  	(tag) =	ssettag $0x1  }
0x1: {  	s10 =	rddreg [dreg:$0x0]  }
0x2: {  	s5 =	rddreg [dreg:$0x1]  }
0x3: {  	s2 =	rddreg [dreg:$0x2]  }
0x4: {  	s0 =	rddreg [dreg:$0x3];
	s1 =	stileid.u32  }
0x5: {  	s6 =	srdreg.scid;
	s3 =	simm.s32 $0x0;
	s4 =	smul.u32 $0x500, s1  }
0x6: {  	s15 =	simm.s32 $0x1;
	s16 =	simm.s32 $0x2800;
	s7 =	smul.u32 $0x2800, s1  }
0x7: {  	s17 =	simm.s32 $0x80;
	s6 =	sand.u32 $0x1, s6;
	s29 =	smul.u32 $0x50000, s1  }
0x8: {  	[smem:$0x7FF] =	sst s3;
	s18 =	sshll.u32 s1, $0x6;
	s8 =	smul.u32 $0x28000, s6  }
0x9: {  	_ =	strace $0x8000004A;
	s30 =	ssub.s32 $0x2, s6;
	s6 =	sshll.u32 s6, $0x4  }
0xa: {  	s18 =	sor.u32 $0x1C01, s18;
	s11 =	sadd.s32 s4, s5;
	s4 =	sadd.s32 $0x5D400, s5  }
0xb: {  	s31 =	sshrl.u32 s30, $0x1;
	s6 =	sor.u32 s1, s6;
	s7 =	sadd.s32 s7, s8  }
0xc: {  	s8 =	sshrl.u32 s29, $0x2;
	s13 =	ssub.s32 s30, s31;
	s14 =	smul.u32 $0x500, s6  }
0xd: {  	s11 =	sadd.s32 $0x3400, s11;
	s12 =	sadd.s32 s7, s5;
	s5 =	sadd.s32 s8, s2  }
0xe: {  	s13 =	smax.u32 s13, $0x1;
	s6 =	sadd.s32 $0x4000, s5;
	s7 =	sadd.s32 $0x8000, s5  }
0xf: {  	s8 =	sadd.s32 $0xC000, s5;
	s9 =	sadd.s32 $0x10000, s5;
	s10 =	sadd.s32 s10, s14  }
0x10: {  	v0 =	vimm.f32 $0.0e+00;
	s12 =	sadd.s32 $0xAB600, s12;
	s14 =	simm.s32 $0x5000;
	s19 =	sshrl.u32 s5, $0x3  }
.LBB2_1:
0x11: {  	s20 =	simm.s32 $0x0;
	s21 =	simm.s32 $0x200  }
.LBB2_2:
0x12: {  	p0 =	sne.s32 s21, $0xFE00;
	[tilespmem:s20+$0x5070] =	vst v0  }
0x13: {  	[tilespmem:s20+$0x5000] =	vst v0  }
0x14: {  	[tilespmem:s20+$0x5010] =	vst v0  }
.Ltmp0:
0x15: {  	[tilespmem:s20+$0x5020] =	vst v0;
	(pc) =	sbr.rel @p0 .LBB2_2-.Ltmp0, $4  }
0x16: {  	[tilespmem:s20+$0x5030] =	vst v0  }
0x17: {  	[tilespmem:s20+$0x5040] =	vst v0  }
0x18: {  	[tilespmem:s20+$0x5050] =	vst v0  }
0x19: {  	[tilespmem:s20+$0x5060] =	vst v0;
	s20 =	sshra.s32 s21, $0x2;
	s21 =	sadd.s32 $0x200, s21  }
0x1a: {  	[tilespmem:s20+$0x5070] =	vst v0  }
0x1b: {  	[tilespmem:s20+$0x5000] =	vst v0  }
0x1c: {  	[tilespmem:s20+$0x5010] =	vst v0  }
0x1d: {  	[tilespmem:s20+$0x5020] =	vst v0  }
0x1e: {  	[tilespmem:s20+$0x5030] =	vst v0  }
0x1f: {  	[tilespmem:s20+$0x5040] =	vst v0  }
0x20: {  	[tilespmem:s20+$0x5050] =	vst v0  }
0x21: {  	[tilespmem:s20+$0x5060] =	vst v0  }
0x22: {  	[spmem:s5] =	stream.linear.scatter [tilespmem:s14], [sflag:$0x1], $0x4000, $0x38;
	[tilespmem:$0x1D000] =	vst v63  }
0x23: {  	_ =	swait.ge [sflag:s15], $0x4000  }
0x24: {  	[sflag:s15] =	ssyncset.done $0x0  }
0x25: {  	[sflag:s15] =	ssyncadd.s32 $0xFFFFC000  }
0x26: {  	[spmem:s6] =	stream.linear.scatter [tilespmem:s14], [sflag:$0x1], $0x4000, $0x38;
	[tilespmem:$0x1D000] =	vst v63  }
0x27: {  	_ =	swait.ge [sflag:s15], $0x4000  }
0x28: {  	[sflag:s15] =	ssyncset.done $0x0  }
0x29: {  	[sflag:s15] =	ssyncadd.s32 $0xFFFFC000  }
0x2a: {  	[spmem:s7] =	stream.linear.scatter [tilespmem:s14], [sflag:$0x1], $0x4000, $0x38;
	[tilespmem:$0x1D000] =	vst v63  }
0x2b: {  	_ =	swait.ge [sflag:s15], $0x4000  }
0x2c: {  	[sflag:s15] =	ssyncset.done $0x0  }
0x2d: {  	[sflag:s15] =	ssyncadd.s32 $0xFFFFC000  }
0x2e: {  	[spmem:s8] =	stream.linear.scatter [tilespmem:s14], [sflag:$0x1], $0x4000, $0x38;
	[tilespmem:$0x1D000] =	vst v63  }
0x2f: {  	_ =	swait.ge [sflag:s15], $0x4000  }
0x30: {  	[sflag:s15] =	ssyncset.done $0x0  }
0x31: {  	[sflag:s15] =	ssyncadd.s32 $0xFFFFC000  }
0x32: {  	[spmem:s9] =	stream.linear.scatter [tilespmem:s14], [sflag:$0x1], $0x4000, $0x38;
	[tilespmem:$0x1D000] =	vst v63  }
0x33: {  	_ =	swait.ge [sflag:s15], $0x4000  }
0x34: {  	[sflag:s15] =	ssyncset.done $0x0  }
0x35: {  	s29 =	simm.s32 $0x0;
	[sflag:s15] =	ssyncadd.s32 $0xFFFFC000  }
0x36: {  	[tilespmem:s29], [sflag:$0x1] =	stream.linear.gather [hbm4b:s10+s29], $0x2800, $0x38;
	[tilespmem:$0x1D000] =	vst v63  }
0x37: {  	_ =	swait.ge [sflag:s15], $0x2800  }
0x38: {  	[sflag:s15] =	ssyncset.done $0x0  }
0x39: {  	[sflag:s15] =	ssyncadd.s32 $0xFFFFD800  }
0x3a: {  	[tilespmem:s16], [sflag:$0x1] =	stream.linear.gather [hbm4b:s11+s29], $0x2800, $0x38;
	[tilespmem:$0x1D000] =	vst v63  }
0x3b: {  	_ =	swait.ge [sflag:s15], $0x2800  }
0x3c: {  	[sflag:s15] =	ssyncset.done $0x0  }
0x3d: {  	[sflag:s15] =	ssyncadd.s32 $0xFFFFD800  }
0x3e: {  	s30 =	simm.s32 $0x0;
	[bflag:$0x0] =	sbarrier.arrive $0xFFFF  }
0x3f: {  	[tilespmem:s14], [sflag:$0x1] =	stream.indirect.gather [hbm4b:s4+s17], $0x80, s30, s17, $0xb8;
	[tilespmem:$0x1D000] =	vst v63  }
0x40: {  	_ =	swait.ge [sflag:s15], $0x4000  }
0x41: {  	[sflag:s15] =	ssyncset.done $0x0  }
0x42: {  	s31 =	simm.s32 $0x2800;
	[sflag:s15] =	ssyncadd.s32 $0xFFFFC000  }
0x43: {  	[spmem:s2] =	stream.indirect.scatter.add.f32 [tilespmem:s14], [sflag:$0x1], $0x80, s31, s17, $0xb8;
	[tilespmem:$0x1D000] =	vst v63  }
0x44: {  	_ =	swait.ge [sflag:s15], $0x4000  }
0x45: {  	s20 =	simm.s32 $0x200;
	s21 =	simm.s32 $0x400;
	[sflag:s15] =	ssyncset.done $0x0  }
.LBB2_4:
0x46: {  	s22 =	sshra.s32 s20, $0x2  }
0x47: {  	[sflag:s15] =	ssyncadd.s32 $0xFFFFC000;
	s20 =	smov.u32 s21;
	s23 =	sadd.s32 $0x200, s21  }
0x48: {  	[tilespmem:s14], [sflag:$0x1] =	stream.indirect.gather [hbm4b:s4+s17], $0x80, s22, s17, $0xb8;
	[tilespmem:$0x1D000] =	vst v63  }
0x49: {  	p0 =	sne.s32 s21, $0x9E00;
	_ =	swait.ge [sflag:s15], $0x4000  }
.Ltmp1:
0x4a: {  	[sflag:s15] =	ssyncset.done $0x0;
	(pc) =	sbr.rel @p0 .LBB2_4-.Ltmp1, $4  }
0x4b: {  	s21 =	sadd.s32 $0x2800, s22;
	[sflag:s15] =	ssyncadd.s32 $0xFFFFC000  }
0x4c: {  	[spmem:s2] =	stream.indirect.scatter.add.f32 [tilespmem:s14], [sflag:$0x1], $0x80, s21, s17, $0xb8;
	[tilespmem:$0x1D000] =	vst v63  }
0x4d: {  	_ =	swait.ge [sflag:s15], $0x4000  }
0x4e: {  	s21 =	smov.u32 s23;
	[sflag:s15] =	ssyncset.done $0x0  }
0x4f: {  	s20 =	sshra.s32 s20, $0x2;
	[sflag:s15] =	ssyncadd.s32 $0xFFFFC000  }
0x50: {  	[tilespmem:s14], [sflag:$0x1] =	stream.indirect.gather [hbm4b:s4+s17], $0x80, s20, s17, $0xb8;
	[tilespmem:$0x1D000] =	vst v63  }
0x51: {  	_ =	swait.ge [sflag:s15], $0x4000  }
0x52: {  	[sflag:s15] =	ssyncset.done $0x0  }
0x53: {  	s20 =	sadd.s32 $0x2800, s20;
	[sflag:s15] =	ssyncadd.s32 $0xFFFFC000  }
0x54: {  	[spmem:s2] =	stream.indirect.scatter.add.f32 [tilespmem:s14], [sflag:$0x1], $0x80, s20, s17, $0xb8;
	[tilespmem:$0x1D000] =	vst v63  }
0x55: {  	_ =	swait.ge [sflag:s15], $0x4000  }
0x56: {  	s3 =	sadd.s32 $0x1, s3;
	[sflag:s15] =	ssyncset.done $0x0  }
0x57: {  	p0 =	sne.s32 s3, s13;
	[sflag:s15] =	ssyncadd.s32 $0xFFFFC000  }
.Ltmp2:
0x58: {  	[bflag:$0x0] =	sbarrier.arrive $0xFFFF;
	(pc) =	sbr.rel @p0 .LBB2_1-.Ltmp2, $4  }
0x59: {  	[hbm:s12], [sflag:s18] =	dma.local [spmem:s19], $0x2800  }
0x5a: {  	_ =	swait.ge [sflag:s15], $0x2800  }
0x5b: {  	[sflag:s15] =	ssyncset.done $0x0  }
0x5c: {  	[sflag:s15] =	ssyncadd.s32 $0xFFFFD800  }
0x5d: {  	_ =	sfence.sel $0x180000  }
0x5e: {  	[bflag:$0x0] =	sbarrier.arrive $0xFFFF  }
0x5f: {  	p0 =	sne.s32 s1, $0x0;
	_ =	strace $0x9000004A  }
0x60: {  	s0 =	sadd.s32 @!p0 $0x100000, s0;
	[bflag:$0x2] =	sbarrier.arrive $0xFFFF  }
0x61: {  	[sflag:s0] =	ssyncadd.tile.s32 @!p0 $0x1;
	_ =	shalt  }
.Lfunc_end2:
_tile_overlayer_lowered:
.L_overlay_start_2:
0x62: {  	(tag) =	ssettag $0x2  }
0x63: {  	s0 =	rddreg [dreg:$0x0];
	s2 =	stileid.u32  }
0x64: {  	s1 =	rddreg [dreg:$0x1];
	p0 =	sne.s32 s2, $0x0  }
0x65: {  	s3 =	rddreg [dreg:$0x2];
	[bflag:$0x3] =	sbarrier.arrive $0xFFFF;
	s2 =	simm.s32 @!p0 $0x1C01  }
0x66: {  	[timem:s3], [sflag:s2] =	dma.local @!p0 [hbm:s0], s1  }
0x67: {  	s0 =	simm.s32 @!p0 $0x1  }
0x68: {  	_ =	swait.ge @!p0 [sflag:s0], s1  }
0x69: {  	s1 =	ssub.s32 @!p0 $0x0, s1;
	[sflag:s0] =	ssyncset.done @!p0 $0x0  }
0x6a: {  	[sflag:s0] =	ssyncadd.s32 @!p0 s1  }
0x6b: {  	[bflag:$0x3] =	sbarrier.arrive $0xFFFF  }
0x6c: {  	_ =	shalt  }

// kernel: kernel.14.cloned.1.call-start
scs
__scs_entry_jumppad:
0x0: {  	(pc) =	sbr.rel $0x88, $3  }
0x1: {  	(tag) =	ssettag $0x0;
	lr =	simm.s32 $0x1  }
0x2: {  	[smem:$0x3F9B] =	sst lr;
	_ =	strace $0xD0000000  }
0x3: {  	_ = 	snop  }
0x4: {  	_ = 	snop  }
0x5: {  	_ = 	snop  }
0x6: {  	_ = 	snop  }
0x7: {  	_ = 	snop  }
__scs_overlays_trampoline_lowered:
0x8: {  	[smem:$0x3FAA] =	sst s0  }
0x9: {  	[smem:$0x3FAB] =	sst s1  }
0xa: {  	[smem:$0x3FAC] =	sst s2  }
0xb: {  	[smem:$0x3FAD] =	sst s3  }
0xc: {  	[smem:$0x3FAE] =	sst s4  }
0xd: {  	[smem:$0x3FAF] =	sst s5  }
0xe: {  	[smem:$0x3FB0] =	sst s6  }
0xf: {  	[smem:$0x3FB1] =	sst s7  }
0x10: {  	[smem:$0x3FB2] =	sst s8  }
0x11: {  	[smem:$0x3FB3] =	sst s9;
	s0 =	simm.s32 @!p0 $0x0  }
0x12: {  	s1 =	sld [smem:$0x3F99];
	s0 =	simm.s32 @p0 $0x1  }
0x13: {  	[smem:$0x3FB4] =	sst s0;
	s0 =	simm.s32 @!p1 $0x0  }
0x14: {  	s2 =	sld [smem:$0x3F98];
	s0 =	simm.s32 @p1 $0x1  }
0x15: {  	[smem:$0x3FB5] =	sst s0;
	s0 =	simm.s32 @!p2 $0x0  }
0x16: {  	s3 =	sld [smem:$0x3FDB];
	s0 =	simm.s32 @p2 $0x1  }
0x17: {  	s4 =	simm.s32 $0x1BF5;
	[smem:$0x3FB7] =	sst s0  }
0x18: {  	s0 =	sld [smem:$0x3F9A];
	_ =	swait.ge [sflag:s4], $0x0  }
0x19: {  	s7 =	sld [smem:$0x3F9B]  }
0x1a: {  	s8 =	sadd.s32 $0xFFFFE003, lr  }
0x1b: {  	s9 =	sadd.s32 $0xFFFFFEF7, lr;
	s5 =	simm.s32 $0xFFFFFFFF;
	p2 =	slt.u32 s8, $0xFFFFF086  }
0x1c: {  	p1 =	slt.u32 s9, $0xF7A;
	s5 =	simm.s32 @!p2 $0x0  }
0x1d: {  	s5 =	simm.s32 @p1 $0x1;
	p0 =	seq.s32 s7, s2  }
0x1e: {  	s7 =	smul.u32 @!p0 $0xF7A, s2;
	p2 =	seq.s32 @!p0 s5, $0x0  }
0x1f: {  	s9 =	smul.u32 $0xF7A, s1;
	s8 =	simm.s32 @!p0 $0x1BF5;
	p2 =	por !p2, p0  }
0x20: {  	[sflag:s8] =	ssyncset.s32 @!p0 $0xFFFFF086;
	s6 =	sadd.s32 @!p0 s3, s7;
	s7 =	simm.s32 @!p0 $0x108  }
0x21: {  	s3 =	sadd.s32 s3, s9;
	s6 =	sadd.s32 @!p0 $0x88, s6;
	s7 =	simm.s32 @p2 $0x1082  }
0x22: {  	[simem:s7], [sflag:s8] =	dma.local @!p0 [hbm:s6], $0xF7A  }
0x23: {  	s9 =	sor.u32 $0xD0000000, s2;
	s6 =	simm.s32 $0x108;
	_ =	swait.ge @!p0 [sflag:s8], $0x0  }
0x24: {  	s3 =	sadd.s32 $0x88, s3;
	s6 =	simm.s32 @!p1 $0x1082;
	[sflag:s4] =	ssyncset.s32 $0xFFFFF086  }
0x25: {  	[simem:s6], [sflag:s4] =	dma.local [hbm:s3], $0xF7A  }
0x26: {  	[smem:$0x3F9B] =	sst s1;
	(tag) =	ssettag s2;
	_ =	strace s9  }
0x27: {  	s1 =	sld [smem:$0x3FAB]  }
0x28: {  	s2 =	sld [smem:$0x3FAC]  }
0x29: {  	s4 =	sld [smem:$0x3FAE]  }
0x2a: {  	p0 =	seq.s32 s5, $0x0;
	s5 =	sld [smem:$0x3FAF]  }
0x2b: {  	s6 =	sld [smem:$0x3FB0]  }
0x2c: {  	s7 =	sld [smem:$0x3FB1]  }
0x2d: {  	s3 =	simm.s32 $0x108;
	s8 =	sld [smem:$0x3FB2]  }
0x2e: {  	s3 =	simm.s32 @!p0 $0x1082;
	s9 =	sld [smem:$0x3FB3]  }
0x2f: {  	lr =	sadd.s32 s0, s3;
	s0 =	sld [smem:$0x3FAA]  }
0x30: {  	s3 =	sld [smem:$0x3FAD]  }
0x31: {  	[smem:$0x3FB6] =	sst s10  }
0x32: {  	s10 =	sld [smem:$0x3FB4];
	_ =	sdelay $0x3  }
0x33: {  	p0 =	seq.s32 s10, $0x1;
	s10 =	sld [smem:$0x3FB6];
	_ =	sdelay $0x3  }
0x34: {  	[smem:$0x3FB6] =	sst s10  }
0x35: {  	s10 =	sld [smem:$0x3FB5];
	_ =	sdelay $0x3  }
0x36: {  	p1 =	seq.s32 s10, $0x1;
	s10 =	sld [smem:$0x3FB6];
	_ =	sdelay $0x3  }
0x37: {  	[smem:$0x3FB6] =	sst s10  }
0x38: {  	s10 =	sld [smem:$0x3FB7]  }
0x39: {  	_ = 	snop;
	(pc) =	sbr.ind lr, $3  }
0x3a: {  	_ = 	snop  }
0x3b: {  	_ = 	snop  }
0x3c: {  	p2 =	seq.s32 s10, $0x1;
	s10 =	sld [smem:$0x3FB6]  }
0x3d: {  	_ =	shalt  }
0x3e: {  	_ =	shalt  }
0x3f: {  	_ =	shalt  }
0x40: {  	_ =	shalt  }
0x41: {  	_ =	shalt  }
0x42: {  	_ =	shalt  }
0x43: {  	_ =	shalt  }
0x44: {  	_ =	shalt  }
0x45: {  	_ =	shalt  }
0x46: {  	_ =	shalt  }
0x47: {  	_ =	shalt  }
0x48: {  	_ =	shalt  }
0x49: {  	_ =	shalt  }
0x4a: {  	_ =	shalt  }
0x4b: {  	_ =	shalt  }
0x4c: {  	_ =	shalt  }
0x4d: {  	_ =	shalt  }
0x4e: {  	_ =	shalt  }
0x4f: {  	_ =	shalt  }
0x50: {  	_ =	shalt  }
0x51: {  	_ =	shalt  }
0x52: {  	_ =	shalt  }
0x53: {  	_ =	shalt  }
0x54: {  	_ =	shalt  }
0x55: {  	_ =	shalt  }
0x56: {  	_ =	shalt  }
0x57: {  	_ =	shalt  }
0x58: {  	_ =	shalt  }
0x59: {  	_ =	shalt  }
0x5a: {  	_ =	shalt  }
0x5b: {  	_ =	shalt  }
0x5c: {  	_ =	shalt  }
0x5d: {  	_ =	shalt  }
0x5e: {  	_ =	shalt  }
0x5f: {  	_ =	shalt  }
0x60: {  	_ =	shalt  }
0x61: {  	_ =	shalt  }
0x62: {  	_ =	shalt  }
0x63: {  	_ =	shalt  }
0x64: {  	_ =	shalt  }
0x65: {  	_ =	shalt  }
0x66: {  	_ =	shalt  }
0x67: {  	_ =	shalt  }
0x68: {  	_ =	shalt  }
0x69: {  	_ =	shalt  }
0x6a: {  	_ =	shalt  }
0x6b: {  	_ =	shalt  }
0x6c: {  	_ =	shalt  }
0x6d: {  	_ =	shalt  }
0x6e: {  	_ =	shalt  }
0x6f: {  	_ =	shalt  }
0x70: {  	_ =	shalt  }
0x71: {  	_ =	shalt  }
0x72: {  	_ =	shalt  }
0x73: {  	_ =	shalt  }
0x74: {  	_ =	shalt  }
0x75: {  	_ =	shalt  }
0x76: {  	_ =	shalt  }
0x77: {  	_ =	shalt  }
0x78: {  	_ =	shalt  }
0x79: {  	_ =	shalt  }
0x7a: {  	_ =	shalt  }
0x7b: {  	_ =	shalt  }
0x7c: {  	_ =	shalt  }
0x7d: {  	_ =	shalt  }
0x7e: {  	_ =	shalt  }
0x7f: {  	_ =	shalt  }
0x80: {  	_ =	shalt  }
0x81: {  	_ =	shalt  }
0x82: {  	_ =	shalt  }
0x83: {  	_ =	shalt  }
0x84: {  	_ =	shalt  }
0x85: {  	_ =	shalt  }
0x86: {  	_ =	shalt  }
0x87: {  	_ =	shalt  }
.Lfunc_end0:
.L_simem_size_0:
called_computation.2_lowered:
.L_overlay_start_0:
0x88: {  	s2 =	sld [smem:$0x3FD9]  }
0x89: {  	s3 =	sld [smem:$0x3FFE];
	_ =	sdelay $0x1  }
0x8a: {  	s1 =	srdreg.scid  }
0x8b: {  	s0 =	sand.u32 $0x1, s1  }
0x8c: {  	s16 =	sshll.u32 s0, $0xA;
	s2 =	sadd.s32 s3, s2  }
0x8d: {  	s2 =	sadd.s32 s2, s16  }
0x8e: {  	[smem:$0x3FC2] =	sst s2  }
0x8f: {  	_ = 	snop  }
0x90: {  	(tm) =	ssettm $0x1  }
0x91: {  	s17 =	sld [smem:$0x3FFB];
	_ =	sdelay $0x3  }
0x92: {  	_ =	strace s17  }
0x93: {  	s2 =	sld [smem:$0x3FFC];
	_ =	sdelay $0x3  }
0x94: {  	_ =	strace s2  }
0x95: {  	s2 =	sld [smem:$0x3FFD];
	_ =	sdelay $0x3  }
0x96: {  	_ =	strace s2  }
0x97: {  	_ =	strace $0x8FFFFFFF  }
0x98: {  	s18 =	sld [smem:$0x3FDB];
	_ =	sdelay $0x1  }
0x99: {  	s19 =	simm.s32 $_scs_section_size  }
0x9a: {  	s4 =	simm.s32 $_size__tile_overlayer_lowered;
	s5 =	simm.s32 $_tile_overlayer_lowered  }
0x9b: {  	s22 =	simm.s32 $0x1BFF;
	s21 =	sshll.u32 s5, $0x1;
	s2 =	sadd.s32 s19, s18  }
0x9c: {  	s6 =	simm.s32 $0x0;
	s20 =	sshll.u32 s4, $0x1;
	s4 =	sadd.s32 s21, s2  }
0x9d: {  	[timem:s6], [sflag:s22] =	dma.local [hbm:s4], s20  }
0x9e: {  	_ =	swait.ge [sflag:s22], s20  }
0x9f: {  	s3 =	ssub.s32 $0x0, s20;
	[sflag:s22] =	ssyncset.done $0x0  }
0xa0: {  	[sflag:s22] =	ssyncadd.s32 s3;
	_ =	sdelay $0x1  }
0xa1: {  	s23 =	simm.s32 $0x1B8B  }
0xa2: {  	_ =	swait.ge [sflag:s23], $0x1  }
0xa3: {  	[sflag:s23] =	ssyncset.done $0x0  }
0xa4: {  	s25 =	simm.s32 $0x1B8E;
	s24 =	sld [smem:$0x3FFE];
	[sflag:s23] =	ssyncadd.s32 $0xFFFFFFFF  }
0xa5: {  	s26 =	simm.s32 $execute0_lowered;
	[smem:$0x3FD2] =	sst s25  }
0xa6: {  	s4 =	sshll.u32 s26, $0x1;
	_ =	strace $0x8000004C;
	[dreg:$0x1] =	wrdreg $0xFFFFFFFF  }
0xa7: {  	s28 =	simm.s32 $_size_execute0_lowered;
	s2 =	sadd.s32 s2, s4;
	[dreg:$0x0] =	wrdreg $0x0  }
0xa8: {  	s4 =	sshll.u32 s28, $0x1;
	[dreg:$0x2] =	wrdreg s2  }
0xa9: {  	[dreg:$0x3] =	wrdreg s4  }
0xaa: {  	[dreg:$0x4] =	wrdreg $0xC0  }
0xab: {  	_ =	task [dreg:s6], $0x5FFFF  }
0xac: {  	[dreg:$0x1] =	wrdreg $0xFFFFFFFF  }
0xad: {  	[dreg:$0x0] =	wrdreg $0x60  }
0xae: {  	[dreg:$0x2] =	wrdreg s24  }
0xaf: {  	[dreg:$0x3] =	wrdreg $0x68000  }
0xb0: {  	[dreg:$0x4] =	wrdreg $0x9  }
0xb1: {  	_ =	task.clear_ibuf [dreg:s6], $0x5FFFF;
	_ =	strace $0x9000004C  }
0xb2: {  	s29 =	simm.s32 $0x9;
	_ =	strace $0x8000004E  }
0xb3: {  	_ =	swait.ge [sflag:s29], $0x1  }
0xb4: {  	[sflag:s29] =	ssyncadd.s32 $0xFFFFFFFF  }
0xb5: {  	_ =	strace $0x9000004E  }
0xb6: {  	_ =	sfence  }
0xb7: {  	s30 =	sld [smem:$0x0];
	_ =	sdelay $0x2  }
0xb8: {  	s31 =	sshll.u32 s1, $0xD;
	s1 =	sshrl.u32 s1, $0x2  }
0xb9: {  	s3 =	sand.u32 $0x4000, s31;
	s1 =	sadd.s32 s1, s30  }
0xba: {  	s0 =	sor.u32 s3, s0;
	s1 =	sshll.u32 s1, $0x11  }
0xbb: {  	s0 =	sor.u32 s1, s0  }
0xbc: {  	s0 =	sadd.s32 $0x8F2B, s0  }
0xbd: {  	[sflag:s0] =	ssyncadd.remote.s32 $0x1  }
0xbe: {  	_ =	sfence.sel $0xFFFF  }
0xbf: {  	[dreg:$0x0] =	wrdreg $0xFFFFFFFF;
	(pc) =	sbr.abs _section_cstart, $3  }
0xc0: {  	[dreg:$0x1] =	wrdreg $0xFFFFFFFF  }
0xc1: {  	_ =	task.clear_ibuf [dreg:s6], $0x2FFFF;
	_ =	strace $0x9FFFFFFF  }
0xc2: {  	(tm) =	ssettm $0x7FFFFFFF  }
0xc3: {  	_ =	shalt  }
tec
execute0_lowered:
.L_overlay_start_1:
0x0: {  	(tag) =	ssettag $0x1  }
0x1: {  	s6 =	rddreg [dreg:$0x0]  }
0x2: {  	s0 =	srdreg.scid;
	s2 =	rddreg [dreg:$0x1]  }
0x3: {  	s3 =	simm.s32 $0x0;
	s5 =	sand.u32 $0x1, s0;
	s0 =	stileid.u32  }
0x4: {  	s14 =	simm.s32 $0x2800;
	s15 =	simm.s32 $0x1;
	s7 =	smul.u32 $0x2800, s0  }
0x5: {  	s16 =	simm.s32 $0x1400;
	s17 =	simm.s32 $0x80;
	s8 =	smul.u32 $0x28000, s5  }
0x6: {  	[smem:$0x7FF] =	sst s3;
	s1 =	sshll.u32 s5, $0x4;
	s9 =	smul.u32 $0x50000, s0  }
0x7: {  	s5 =	ssub.s32 $0x2, s5;
	s18 =	sshll.u32 s0, $0x6;
	s1 =	sor.u32 s0, s1  }
0x8: {  	s31 =	sshrl.u32 s5, $0x1;
	s18 =	sor.u32 $0x1C01, s18;
	s4 =	smul.u32 $0x280, s1  }
0x9: {  	s1 =	rddreg [dreg:$0x2];
	_ =	strace $0x8000004D;
	s7 =	sadd.s32 s7, s8  }
0xa: {  	s9 =	sshrl.u32 s9, $0x2;
	s13 =	ssub.s32 s5, s31;
	s12 =	sadd.s32 s7, s6  }
0xb: {  	s5 =	sadd.s32 s9, s2;
	s13 =	smax.u32 s13, $0x1;
	s11 =	sadd.s32 s4, s6  }
0xc: {  	s4 =	sadd.s32 $0x5D400, s6;
	s6 =	sadd.s32 $0x4000, s5;
	s7 =	sadd.s32 $0x8000, s5  }
0xd: {  	s8 =	sadd.s32 $0xC000, s5;
	s9 =	sadd.s32 $0x10000, s5;
	s12 =	sadd.s32 $0x84600, s12  }
0xe: {  	v0 =	vimm.f32 $0.0e+00;
	s19 =	sshrl.u32 s5, $0x3;
	s10 =	sadd.s32 $0x58400, s11;
	s11 =	sadd.s32 $0x3400, s11  }
.LBB2_1:
0xf: {  	s20 =	simm.s32 $0x0;
	s21 =	simm.s32 $0x200  }
.LBB2_2:
0x10: {  	p0 =	sne.s32 s21, $0xFE00;
	[tilespmem:s20+$0x2870] =	vst v0  }
0x11: {  	[tilespmem:s20+$0x2800] =	vst v0  }
0x12: {  	[tilespmem:s20+$0x2810] =	vst v0  }
.Ltmp0:
0x13: {  	[tilespmem:s20+$0x2820] =	vst v0;
	(pc) =	sbr.rel @p0 .LBB2_2-.Ltmp0, $4  }
0x14: {  	[tilespmem:s20+$0x2830] =	vst v0  }
0x15: {  	[tilespmem:s20+$0x2840] =	vst v0  }
0x16: {  	[tilespmem:s20+$0x2850] =	vst v0  }
0x17: {  	[tilespmem:s20+$0x2860] =	vst v0;
	s20 =	sshra.s32 s21, $0x2;
	s21 =	sadd.s32 $0x200, s21  }
0x18: {  	[tilespmem:s20+$0x2870] =	vst v0  }
0x19: {  	[tilespmem:s20+$0x2800] =	vst v0  }
0x1a: {  	[tilespmem:s20+$0x2810] =	vst v0  }
0x1b: {  	[tilespmem:s20+$0x2820] =	vst v0  }
0x1c: {  	[tilespmem:s20+$0x2830] =	vst v0  }
0x1d: {  	[tilespmem:s20+$0x2840] =	vst v0  }
0x1e: {  	[tilespmem:s20+$0x2850] =	vst v0  }
0x1f: {  	[tilespmem:s20+$0x2860] =	vst v0  }
0x20: {  	[spmem:s5] =	stream.linear.scatter [tilespmem:s14], [sflag:$0x1], $0x4000, $0x38;
	[tilespmem:$0x1A800] =	vst v63  }
0x21: {  	_ =	swait.ge [sflag:s15], $0x4000  }
0x22: {  	[sflag:s15] =	ssyncset.done $0x0  }
0x23: {  	[sflag:s15] =	ssyncadd.s32 $0xFFFFC000  }
0x24: {  	[spmem:s6] =	stream.linear.scatter [tilespmem:s14], [sflag:$0x1], $0x4000, $0x38;
	[tilespmem:$0x1A800] =	vst v63  }
0x25: {  	_ =	swait.ge [sflag:s15], $0x4000  }
0x26: {  	[sflag:s15] =	ssyncset.done $0x0  }
0x27: {  	[sflag:s15] =	ssyncadd.s32 $0xFFFFC000  }
0x28: {  	[spmem:s7] =	stream.linear.scatter [tilespmem:s14], [sflag:$0x1], $0x4000, $0x38;
	[tilespmem:$0x1A800] =	vst v63  }
0x29: {  	_ =	swait.ge [sflag:s15], $0x4000  }
0x2a: {  	[sflag:s15] =	ssyncset.done $0x0  }
0x2b: {  	[sflag:s15] =	ssyncadd.s32 $0xFFFFC000  }
0x2c: {  	[spmem:s8] =	stream.linear.scatter [tilespmem:s14], [sflag:$0x1], $0x4000, $0x38;
	[tilespmem:$0x1A800] =	vst v63  }
0x2d: {  	_ =	swait.ge [sflag:s15], $0x4000  }
0x2e: {  	[sflag:s15] =	ssyncset.done $0x0  }
0x2f: {  	[sflag:s15] =	ssyncadd.s32 $0xFFFFC000  }
0x30: {  	[spmem:s9] =	stream.linear.scatter [tilespmem:s14], [sflag:$0x1], $0x4000, $0x38;
	[tilespmem:$0x1A800] =	vst v63  }
0x31: {  	_ =	swait.ge [sflag:s15], $0x4000  }
0x32: {  	[sflag:s15] =	ssyncset.done $0x0  }
0x33: {  	s29 =	simm.s32 $0x0;
	[sflag:s15] =	ssyncadd.s32 $0xFFFFC000  }
0x34: {  	[tilespmem:s29], [sflag:$0x1] =	stream.linear.gather [hbm4b:s10+s29], $0x1400, $0x38;
	[tilespmem:$0x1A800] =	vst v63  }
0x35: {  	_ =	swait.ge [sflag:s15], $0x1400  }
0x36: {  	[sflag:s15] =	ssyncset.done $0x0  }
0x37: {  	[sflag:s15] =	ssyncadd.s32 $0xFFFFEC00  }
0x38: {  	[tilespmem:s16], [sflag:$0x1] =	stream.linear.gather [hbm4b:s11+s29], $0x1400, $0x38;
	[tilespmem:$0x1A800] =	vst v63  }
0x39: {  	_ =	swait.ge [sflag:s15], $0x1400  }
0x3a: {  	[sflag:s15] =	ssyncset.done $0x0  }
0x3b: {  	[sflag:s15] =	ssyncadd.s32 $0xFFFFEC00  }
0x3c: {  	s30 =	simm.s32 $0x0;
	[bflag:$0x0] =	sbarrier.arrive $0xFFFF  }
0x3d: {  	[tilespmem:s14], [sflag:$0x1] =	stream.indirect.gather [hbm4b:s4+s17], $0x80, s30, s17, $0xb8;
	[tilespmem:$0x1A800] =	vst v63  }
0x3e: {  	_ =	swait.ge [sflag:s15], $0x4000  }
0x3f: {  	[sflag:s15] =	ssyncset.done $0x0  }
0x40: {  	s31 =	simm.s32 $0x1400;
	[sflag:s15] =	ssyncadd.s32 $0xFFFFC000  }
0x41: {  	[spmem:s2] =	stream.indirect.scatter.add.f32 [tilespmem:s14], [sflag:$0x1], $0x80, s31, s17, $0xb8;
	[tilespmem:$0x1A800] =	vst v63  }
0x42: {  	_ =	swait.ge [sflag:s15], $0x4000  }
0x43: {  	s20 =	simm.s32 $0x200;
	s21 =	simm.s32 $0x400;
	[sflag:s15] =	ssyncset.done $0x0  }
.LBB2_4:
0x44: {  	s22 =	sshra.s32 s20, $0x2  }
0x45: {  	[sflag:s15] =	ssyncadd.s32 $0xFFFFC000;
	s20 =	smov.u32 s21;
	s23 =	sadd.s32 $0x200, s21  }
0x46: {  	[tilespmem:s14], [sflag:$0x1] =	stream.indirect.gather [hbm4b:s4+s17], $0x80, s22, s17, $0xb8;
	[tilespmem:$0x1A800] =	vst v63  }
0x47: {  	p0 =	sne.s32 s21, $0x4E00;
	_ =	swait.ge [sflag:s15], $0x4000  }
.Ltmp1:
0x48: {  	[sflag:s15] =	ssyncset.done $0x0;
	(pc) =	sbr.rel @p0 .LBB2_4-.Ltmp1, $4  }
0x49: {  	s21 =	sadd.s32 $0x1400, s22;
	[sflag:s15] =	ssyncadd.s32 $0xFFFFC000  }
0x4a: {  	[spmem:s2] =	stream.indirect.scatter.add.f32 [tilespmem:s14], [sflag:$0x1], $0x80, s21, s17, $0xb8;
	[tilespmem:$0x1A800] =	vst v63  }
0x4b: {  	_ =	swait.ge [sflag:s15], $0x4000  }
0x4c: {  	s21 =	smov.u32 s23;
	[sflag:s15] =	ssyncset.done $0x0  }
0x4d: {  	s20 =	sshra.s32 s20, $0x2;
	[sflag:s15] =	ssyncadd.s32 $0xFFFFC000  }
0x4e: {  	[tilespmem:s14], [sflag:$0x1] =	stream.indirect.gather [hbm4b:s4+s17], $0x80, s20, s17, $0xb8;
	[tilespmem:$0x1A800] =	vst v63  }
0x4f: {  	_ =	swait.ge [sflag:s15], $0x4000  }
0x50: {  	[sflag:s15] =	ssyncset.done $0x0  }
0x51: {  	s20 =	sadd.s32 $0x1400, s20;
	[sflag:s15] =	ssyncadd.s32 $0xFFFFC000  }
0x52: {  	[spmem:s2] =	stream.indirect.scatter.add.f32 [tilespmem:s14], [sflag:$0x1], $0x80, s20, s17, $0xb8;
	[tilespmem:$0x1A800] =	vst v63  }
0x53: {  	_ =	swait.ge [sflag:s15], $0x4000  }
0x54: {  	s3 =	sadd.s32 $0x1, s3;
	[sflag:s15] =	ssyncset.done $0x0  }
0x55: {  	p0 =	sne.s32 s3, s13;
	[sflag:s15] =	ssyncadd.s32 $0xFFFFC000  }
.Ltmp2:
0x56: {  	[bflag:$0x0] =	sbarrier.arrive $0xFFFF;
	(pc) =	sbr.rel @p0 .LBB2_1-.Ltmp2, $4  }
0x57: {  	[hbm:s12], [sflag:s18] =	dma.local [spmem:s19], $0x2800  }
0x58: {  	_ =	swait.ge [sflag:s15], $0x2800  }
0x59: {  	[sflag:s15] =	ssyncset.done $0x0  }
0x5a: {  	[sflag:s15] =	ssyncadd.s32 $0xFFFFD800  }
0x5b: {  	_ =	sfence.sel $0x180000  }
0x5c: {  	[bflag:$0x0] =	sbarrier.arrive $0xFFFF  }
0x5d: {  	p0 =	sne.s32 s0, $0x0;
	_ =	strace $0x9000004D  }
0x5e: {  	s0 =	sadd.s32 @!p0 $0x100000, s1;
	[bflag:$0x2] =	sbarrier.arrive $0xFFFF  }
0x5f: {  	[sflag:s0] =	ssyncadd.tile.s32 @!p0 $0x1;
	_ =	shalt  }
.Lfunc_end2:
_tile_overlayer_lowered:
.L_overlay_start_2:
0x60: {  	(tag) =	ssettag $0x2  }
0x61: {  	s0 =	rddreg [dreg:$0x0];
	s2 =	stileid.u32  }
0x62: {  	s1 =	rddreg [dreg:$0x1];
	p0 =	sne.s32 s2, $0x0  }
0x63: {  	s3 =	rddreg [dreg:$0x2];
	[bflag:$0x3] =	sbarrier.arrive $0xFFFF;
	s2 =	simm.s32 @!p0 $0x1C01  }
0x64: {  	[timem:s3], [sflag:s2] =	dma.local @!p0 [hbm:s0], s1  }
0x65: {  	s0 =	simm.s32 @!p0 $0x1  }
0x66: {  	_ =	swait.ge @!p0 [sflag:s0], s1  }
0x67: {  	s1 =	ssub.s32 @!p0 $0x0, s1;
	[sflag:s0] =	ssyncset.done @!p0 $0x0  }
0x68: {  	[sflag:s0] =	ssyncadd.s32 @!p0 s1  }
0x69: {  	[bflag:$0x3] =	sbarrier.arrive $0xFFFF  }
0x6a: {  	_ =	shalt  }

// kernel: kernel.8.cloned.1.call-start
scs
__scs_entry_jumppad:
0x0: {  	(pc) =	sbr.rel $0x88, $3  }
0x1: {  	(tag) =	ssettag $0x0;
	lr =	simm.s32 $0x1  }
0x2: {  	[smem:$0x3F9B] =	sst lr;
	_ =	strace $0xD0000000  }
0x3: {  	_ = 	snop  }
0x4: {  	_ = 	snop  }
0x5: {  	_ = 	snop  }
0x6: {  	_ = 	snop  }
0x7: {  	_ = 	snop  }
__scs_overlays_trampoline_lowered:
0x8: {  	[smem:$0x3FAA] =	sst s0  }
0x9: {  	[smem:$0x3FAB] =	sst s1  }
0xa: {  	[smem:$0x3FAC] =	sst s2  }
0xb: {  	[smem:$0x3FAD] =	sst s3  }
0xc: {  	[smem:$0x3FAE] =	sst s4  }
0xd: {  	[smem:$0x3FAF] =	sst s5  }
0xe: {  	[smem:$0x3FB0] =	sst s6  }
0xf: {  	[smem:$0x3FB1] =	sst s7  }
0x10: {  	[smem:$0x3FB2] =	sst s8  }
0x11: {  	[smem:$0x3FB3] =	sst s9;
	s0 =	simm.s32 @!p0 $0x0  }
0x12: {  	s1 =	sld [smem:$0x3F99];
	s0 =	simm.s32 @p0 $0x1  }
0x13: {  	[smem:$0x3FB4] =	sst s0;
	s0 =	simm.s32 @!p1 $0x0  }
0x14: {  	s2 =	sld [smem:$0x3F98];
	s0 =	simm.s32 @p1 $0x1  }
0x15: {  	[smem:$0x3FB5] =	sst s0;
	s0 =	simm.s32 @!p2 $0x0  }
0x16: {  	s3 =	sld [smem:$0x3FDB];
	s0 =	simm.s32 @p2 $0x1  }
0x17: {  	s4 =	simm.s32 $0x1BF5;
	[smem:$0x3FB7] =	sst s0  }
0x18: {  	s0 =	sld [smem:$0x3F9A];
	_ =	swait.ge [sflag:s4], $0x0  }
0x19: {  	s7 =	sld [smem:$0x3F9B]  }
0x1a: {  	s8 =	sadd.s32 $0xFFFFE003, lr  }
0x1b: {  	s9 =	sadd.s32 $0xFFFFFEF7, lr;
	s5 =	simm.s32 $0xFFFFFFFF;
	p2 =	slt.u32 s8, $0xFFFFF086  }
0x1c: {  	p1 =	slt.u32 s9, $0xF7A;
	s5 =	simm.s32 @!p2 $0x0  }
0x1d: {  	s5 =	simm.s32 @p1 $0x1;
	p0 =	seq.s32 s7, s2  }
0x1e: {  	s7 =	smul.u32 @!p0 $0xF7A, s2;
	p2 =	seq.s32 @!p0 s5, $0x0  }
0x1f: {  	s9 =	smul.u32 $0xF7A, s1;
	s8 =	simm.s32 @!p0 $0x1BF5;
	p2 =	por !p2, p0  }
0x20: {  	[sflag:s8] =	ssyncset.s32 @!p0 $0xFFFFF086;
	s6 =	sadd.s32 @!p0 s3, s7;
	s7 =	simm.s32 @!p0 $0x108  }
0x21: {  	s3 =	sadd.s32 s3, s9;
	s6 =	sadd.s32 @!p0 $0x88, s6;
	s7 =	simm.s32 @p2 $0x1082  }
0x22: {  	[simem:s7], [sflag:s8] =	dma.local @!p0 [hbm:s6], $0xF7A  }
0x23: {  	s9 =	sor.u32 $0xD0000000, s2;
	s6 =	simm.s32 $0x108;
	_ =	swait.ge @!p0 [sflag:s8], $0x0  }
0x24: {  	s3 =	sadd.s32 $0x88, s3;
	s6 =	simm.s32 @!p1 $0x1082;
	[sflag:s4] =	ssyncset.s32 $0xFFFFF086  }
0x25: {  	[simem:s6], [sflag:s4] =	dma.local [hbm:s3], $0xF7A  }
0x26: {  	[smem:$0x3F9B] =	sst s1;
	(tag) =	ssettag s2;
	_ =	strace s9  }
0x27: {  	s1 =	sld [smem:$0x3FAB]  }
0x28: {  	s2 =	sld [smem:$0x3FAC]  }
0x29: {  	s4 =	sld [smem:$0x3FAE]  }
0x2a: {  	p0 =	seq.s32 s5, $0x0;
	s5 =	sld [smem:$0x3FAF]  }
0x2b: {  	s6 =	sld [smem:$0x3FB0]  }
0x2c: {  	s7 =	sld [smem:$0x3FB1]  }
0x2d: {  	s3 =	simm.s32 $0x108;
	s8 =	sld [smem:$0x3FB2]  }
0x2e: {  	s3 =	simm.s32 @!p0 $0x1082;
	s9 =	sld [smem:$0x3FB3]  }
0x2f: {  	lr =	sadd.s32 s0, s3;
	s0 =	sld [smem:$0x3FAA]  }
0x30: {  	s3 =	sld [smem:$0x3FAD]  }
0x31: {  	[smem:$0x3FB6] =	sst s10  }
0x32: {  	s10 =	sld [smem:$0x3FB4];
	_ =	sdelay $0x3  }
0x33: {  	p0 =	seq.s32 s10, $0x1;
	s10 =	sld [smem:$0x3FB6];
	_ =	sdelay $0x3  }
0x34: {  	[smem:$0x3FB6] =	sst s10  }
0x35: {  	s10 =	sld [smem:$0x3FB5];
	_ =	sdelay $0x3  }
0x36: {  	p1 =	seq.s32 s10, $0x1;
	s10 =	sld [smem:$0x3FB6];
	_ =	sdelay $0x3  }
0x37: {  	[smem:$0x3FB6] =	sst s10  }
0x38: {  	s10 =	sld [smem:$0x3FB7]  }
0x39: {  	_ = 	snop;
	(pc) =	sbr.ind lr, $3  }
0x3a: {  	_ = 	snop  }
0x3b: {  	_ = 	snop  }
0x3c: {  	p2 =	seq.s32 s10, $0x1;
	s10 =	sld [smem:$0x3FB6]  }
0x3d: {  	_ =	shalt  }
0x3e: {  	_ =	shalt  }
0x3f: {  	_ =	shalt  }
0x40: {  	_ =	shalt  }
0x41: {  	_ =	shalt  }
0x42: {  	_ =	shalt  }
0x43: {  	_ =	shalt  }
0x44: {  	_ =	shalt  }
0x45: {  	_ =	shalt  }
0x46: {  	_ =	shalt  }
0x47: {  	_ =	shalt  }
0x48: {  	_ =	shalt  }
0x49: {  	_ =	shalt  }
0x4a: {  	_ =	shalt  }
0x4b: {  	_ =	shalt  }
0x4c: {  	_ =	shalt  }
0x4d: {  	_ =	shalt  }
0x4e: {  	_ =	shalt  }
0x4f: {  	_ =	shalt  }
0x50: {  	_ =	shalt  }
0x51: {  	_ =	shalt  }
0x52: {  	_ =	shalt  }
0x53: {  	_ =	shalt  }
0x54: {  	_ =	shalt  }
0x55: {  	_ =	shalt  }
0x56: {  	_ =	shalt  }
0x57: {  	_ =	shalt  }
0x58: {  	_ =	shalt  }
0x59: {  	_ =	shalt  }
0x5a: {  	_ =	shalt  }
0x5b: {  	_ =	shalt  }
0x5c: {  	_ =	shalt  }
0x5d: {  	_ =	shalt  }
0x5e: {  	_ =	shalt  }
0x5f: {  	_ =	shalt  }
0x60: {  	_ =	shalt  }
0x61: {  	_ =	shalt  }
0x62: {  	_ =	shalt  }
0x63: {  	_ =	shalt  }
0x64: {  	_ =	shalt  }
0x65: {  	_ =	shalt  }
0x66: {  	_ =	shalt  }
0x67: {  	_ =	shalt  }
0x68: {  	_ =	shalt  }
0x69: {  	_ =	shalt  }
0x6a: {  	_ =	shalt  }
0x6b: {  	_ =	shalt  }
0x6c: {  	_ =	shalt  }
0x6d: {  	_ =	shalt  }
0x6e: {  	_ =	shalt  }
0x6f: {  	_ =	shalt  }
0x70: {  	_ =	shalt  }
0x71: {  	_ =	shalt  }
0x72: {  	_ =	shalt  }
0x73: {  	_ =	shalt  }
0x74: {  	_ =	shalt  }
0x75: {  	_ =	shalt  }
0x76: {  	_ =	shalt  }
0x77: {  	_ =	shalt  }
0x78: {  	_ =	shalt  }
0x79: {  	_ =	shalt  }
0x7a: {  	_ =	shalt  }
0x7b: {  	_ =	shalt  }
0x7c: {  	_ =	shalt  }
0x7d: {  	_ =	shalt  }
0x7e: {  	_ =	shalt  }
0x7f: {  	_ =	shalt  }
0x80: {  	_ =	shalt  }
0x81: {  	_ =	shalt  }
0x82: {  	_ =	shalt  }
0x83: {  	_ =	shalt  }
0x84: {  	_ =	shalt  }
0x85: {  	_ =	shalt  }
0x86: {  	_ =	shalt  }
0x87: {  	_ =	shalt  }
.Lfunc_end0:
.L_simem_size_0:
called_computation_lowered:
.L_overlay_start_0:
0x88: {  	s2 =	sld [smem:$0x3FD9]  }
0x89: {  	s3 =	sld [smem:$0x3FFE];
	_ =	sdelay $0x1  }
0x8a: {  	s1 =	srdreg.scid  }
0x8b: {  	s0 =	sand.u32 $0x1, s1  }
0x8c: {  	s16 =	sshll.u32 s0, $0xA;
	s2 =	sadd.s32 s3, s2  }
0x8d: {  	s2 =	sadd.s32 s2, s16  }
0x8e: {  	[smem:$0x3FC2] =	sst s2  }
0x8f: {  	_ = 	snop  }
0x90: {  	(tm) =	ssettm $0x1  }
0x91: {  	s17 =	sld [smem:$0x3FFB];
	_ =	sdelay $0x3  }
0x92: {  	_ =	strace s17  }
0x93: {  	s2 =	sld [smem:$0x3FFC];
	_ =	sdelay $0x3  }
0x94: {  	_ =	strace s2  }
0x95: {  	s2 =	sld [smem:$0x3FFD];
	_ =	sdelay $0x3  }
0x96: {  	_ =	strace s2  }
0x97: {  	_ =	strace $0x8FFFFFFF  }
0x98: {  	s18 =	sld [smem:$0x3FDB];
	_ =	sdelay $0x1  }
0x99: {  	s19 =	simm.s32 $_scs_section_size  }
0x9a: {  	s4 =	simm.s32 $_size__tile_overlayer_lowered;
	s5 =	simm.s32 $_tile_overlayer_lowered  }
0x9b: {  	s22 =	simm.s32 $0x1BFF;
	s21 =	sshll.u32 s5, $0x1;
	s2 =	sadd.s32 s19, s18  }
0x9c: {  	s6 =	simm.s32 $0x0;
	s20 =	sshll.u32 s4, $0x1;
	s4 =	sadd.s32 s21, s2  }
0x9d: {  	[timem:s6], [sflag:s22] =	dma.local [hbm:s4], s20  }
0x9e: {  	_ =	swait.ge [sflag:s22], s20  }
0x9f: {  	s3 =	ssub.s32 $0x0, s20;
	[sflag:s22] =	ssyncset.done $0x0  }
0xa0: {  	[sflag:s22] =	ssyncadd.s32 s3;
	_ =	sdelay $0x1  }
0xa1: {  	s23 =	simm.s32 $0x1B8B  }
0xa2: {  	_ =	swait.ge [sflag:s23], $0x1  }
0xa3: {  	[sflag:s23] =	ssyncset.done $0x0  }
0xa4: {  	s25 =	simm.s32 $0x1B8E;
	s24 =	sld [smem:$0x3FFE];
	[sflag:s23] =	ssyncadd.s32 $0xFFFFFFFF  }
0xa5: {  	s26 =	simm.s32 $execute0_lowered;
	[smem:$0x3FD2] =	sst s25  }
0xa6: {  	s4 =	sshll.u32 s26, $0x1;
	_ =	strace $0x80000046;
	[dreg:$0x1] =	wrdreg $0xFFFFFFFF  }
0xa7: {  	s28 =	simm.s32 $_size_execute0_lowered;
	s2 =	sadd.s32 s2, s4;
	[dreg:$0x0] =	wrdreg $0x0  }
0xa8: {  	s4 =	sshll.u32 s28, $0x1;
	[dreg:$0x2] =	wrdreg s2  }
0xa9: {  	[dreg:$0x3] =	wrdreg s4  }
0xaa: {  	[dreg:$0x4] =	wrdreg $0xC0  }
0xab: {  	_ =	task [dreg:s6], $0x5FFFF  }
0xac: {  	[dreg:$0x1] =	wrdreg $0xFFFFFFFF  }
0xad: {  	[dreg:$0x0] =	wrdreg $0x60  }
0xae: {  	[dreg:$0x2] =	wrdreg s24  }
0xaf: {  	[dreg:$0x3] =	wrdreg $0x54000  }
0xb0: {  	[dreg:$0x4] =	wrdreg $0x9  }
0xb1: {  	_ =	task.clear_ibuf [dreg:s6], $0x5FFFF;
	_ =	strace $0x90000046  }
0xb2: {  	s29 =	simm.s32 $0x9;
	_ =	strace $0x80000048  }
0xb3: {  	_ =	swait.ge [sflag:s29], $0x1  }
0xb4: {  	[sflag:s29] =	ssyncadd.s32 $0xFFFFFFFF  }
0xb5: {  	_ =	strace $0x90000048  }
0xb6: {  	_ =	sfence  }
0xb7: {  	s30 =	sld [smem:$0x0];
	_ =	sdelay $0x2  }
0xb8: {  	s31 =	sshll.u32 s1, $0xD;
	s1 =	sshrl.u32 s1, $0x2  }
0xb9: {  	s3 =	sand.u32 $0x4000, s31;
	s1 =	sadd.s32 s1, s30  }
0xba: {  	s0 =	sor.u32 s3, s0;
	s1 =	sshll.u32 s1, $0x11  }
0xbb: {  	s0 =	sor.u32 s1, s0  }
0xbc: {  	s0 =	sadd.s32 $0x8F2B, s0  }
0xbd: {  	[sflag:s0] =	ssyncadd.remote.s32 $0x1  }
0xbe: {  	_ =	sfence.sel $0xFFFF  }
0xbf: {  	[dreg:$0x0] =	wrdreg $0xFFFFFFFF;
	(pc) =	sbr.abs _section_cstart, $3  }
0xc0: {  	[dreg:$0x1] =	wrdreg $0xFFFFFFFF  }
0xc1: {  	_ =	task.clear_ibuf [dreg:s6], $0x2FFFF;
	_ =	strace $0x9FFFFFFF  }
0xc2: {  	(tm) =	ssettm $0x7FFFFFFF  }
0xc3: {  	_ =	shalt  }
tec
execute0_lowered:
.L_overlay_start_1:
0x0: {  	(tag) =	ssettag $0x1  }
0x1: {  	s5 =	rddreg [dreg:$0x0]  }
0x2: {  	s0 =	srdreg.scid;
	s2 =	rddreg [dreg:$0x1];
	s3 =	simm.s32 $0x0  }
0x3: {  	s13 =	simm.s32 $0x4000;
	s4 =	sand.u32 $0x1, s0;
	s0 =	stileid.u32  }
0x4: {  	s14 =	simm.s32 $0x80;
	s17 =	simm.s32 $0x0;
	s7 =	smul.u32 $0x2800, s0  }
0x5: {  	[smem:$0x7FF] =	sst s3;
	s1 =	sshll.u32 s4, $0x4;
	s8 =	smul.u32 $0x28000, s4  }
0x6: {  	s9 =	smul.u32 $0x50000, s0;
	s29 =	ssub.s32 $0x2, s4;
	s15 =	sshll.u32 s0, $0x6  }
0x7: {  	s1 =	sor.u32 s0, s1;
	s31 =	sshrl.u32 s29, $0x1;
	s15 =	sor.u32 $0x1C01, s15  }
0x8: {  	s6 =	smul.u32 $0x280, s1;
	s1 =	rddreg [dreg:$0x2];
	_ =	strace $0x80000047  }
0x9: {  	s28 =	sadd.s32 s7, s8;
	s30 =	sshrl.u32 s9, $0x2;
	s12 =	ssub.s32 s29, s31  }
0xa: {  	s11 =	sadd.s32 s28, s5;
	s4 =	sadd.s32 s30, s2;
	s10 =	sadd.s32 s6, s5  }
0xb: {  	s5 =	sadd.s32 $0x4000, s4;
	s6 =	sadd.s32 $0x8000, s4;
	s7 =	sadd.s32 $0xC000, s4  }
0xc: {  	s8 =	sadd.s32 $0x10000, s4;
	s16 =	sshrl.u32 s4, $0x3;
	s9 =	sadd.s32 $0x3400, s10  }
0xd: {  	v0 =	vimm.f32 $0.0e+00;
	v1 =	vimm.f32 $1.000000000e+00;
	s10 =	sadd.s32 $0x8400, s11;
	s11 =	smax.u32 s12, $0x1;
	s12 =	simm.s32 $0x1  }
.LBB2_1:
0xe: {  	s18 =	simm.s32 $0x0;
	s19 =	simm.s32 $0x200  }
.LBB2_2:
0xf: {  	p0 =	sne.s32 s19, $0xFE00;
	[tilespmem:s18+$0x70] =	vst v0  }
0x10: {  	[tilespmem:s18+$0x0] =	vst v0  }
0x11: {  	[tilespmem:s18+$0x10] =	vst v0  }
.Ltmp0:
0x12: {  	[tilespmem:s18+$0x20] =	vst v0;
	(pc) =	sbr.rel @p0 .LBB2_2-.Ltmp0, $4  }
0x13: {  	[tilespmem:s18+$0x30] =	vst v0  }
0x14: {  	[tilespmem:s18+$0x40] =	vst v0  }
0x15: {  	[tilespmem:s18+$0x50] =	vst v0  }
0x16: {  	[tilespmem:s18+$0x60] =	vst v0;
	s18 =	sshra.s32 s19, $0x2;
	s19 =	sadd.s32 $0x200, s19  }
0x17: {  	[tilespmem:s18+$0x70] =	vst v0  }
0x18: {  	[tilespmem:s18+$0x0] =	vst v0  }
0x19: {  	[tilespmem:s18+$0x10] =	vst v0  }
0x1a: {  	[tilespmem:s18+$0x20] =	vst v0  }
0x1b: {  	[tilespmem:s18+$0x30] =	vst v0  }
0x1c: {  	[tilespmem:s18+$0x40] =	vst v0  }
0x1d: {  	[tilespmem:s18+$0x50] =	vst v0  }
0x1e: {  	[tilespmem:s18+$0x60] =	vst v0;
	s31 =	simm.s32 $0x0  }
0x1f: {  	[spmem:s4] =	stream.linear.scatter [tilespmem:s31], [sflag:$0x1], $0x4000, $0x38;
	[tilespmem:$0x19400] =	vst v63  }
0x20: {  	_ =	swait.ge [sflag:s12], $0x4000  }
0x21: {  	[sflag:s12] =	ssyncset.done $0x0  }
0x22: {  	[sflag:s12] =	ssyncadd.s32 $0xFFFFC000  }
0x23: {  	[spmem:s5] =	stream.linear.scatter [tilespmem:s31], [sflag:$0x1], $0x4000, $0x38;
	[tilespmem:$0x19400] =	vst v63  }
0x24: {  	_ =	swait.ge [sflag:s12], $0x4000  }
0x25: {  	[sflag:s12] =	ssyncset.done $0x0  }
0x26: {  	[sflag:s12] =	ssyncadd.s32 $0xFFFFC000  }
0x27: {  	[spmem:s6] =	stream.linear.scatter [tilespmem:s31], [sflag:$0x1], $0x4000, $0x38;
	[tilespmem:$0x19400] =	vst v63  }
0x28: {  	_ =	swait.ge [sflag:s12], $0x4000  }
0x29: {  	[sflag:s12] =	ssyncset.done $0x0  }
0x2a: {  	[sflag:s12] =	ssyncadd.s32 $0xFFFFC000  }
0x2b: {  	[spmem:s7] =	stream.linear.scatter [tilespmem:s31], [sflag:$0x1], $0x4000, $0x38;
	[tilespmem:$0x19400] =	vst v63  }
0x2c: {  	_ =	swait.ge [sflag:s12], $0x4000  }
0x2d: {  	[sflag:s12] =	ssyncset.done $0x0  }
0x2e: {  	[sflag:s12] =	ssyncadd.s32 $0xFFFFC000  }
0x2f: {  	[spmem:s8] =	stream.linear.scatter [tilespmem:s31], [sflag:$0x1], $0x4000, $0x38;
	[tilespmem:$0x19400] =	vst v63  }
0x30: {  	_ =	swait.ge [sflag:s12], $0x4000  }
0x31: {  	[sflag:s12] =	ssyncset.done $0x0  }
0x32: {  	s18 =	simm.s32 $0x0;
	s19 =	simm.s32 $0x200;
	[sflag:s12] =	ssyncadd.s32 $0xFFFFC000  }
.LBB2_4:
0x33: {  	p0 =	sne.s32 s19, $0xFE00;
	[tilespmem:s18+$0x70] =	vst v1  }
0x34: {  	[tilespmem:s18+$0x0] =	vst v1  }
0x35: {  	[tilespmem:s18+$0x10] =	vst v1  }
.Ltmp1:
0x36: {  	[tilespmem:s18+$0x20] =	vst v1;
	(pc) =	sbr.rel @p0 .LBB2_4-.Ltmp1, $4  }
0x37: {  	[tilespmem:s18+$0x30] =	vst v1  }
0x38: {  	[tilespmem:s18+$0x40] =	vst v1  }
0x39: {  	[tilespmem:s18+$0x50] =	vst v1  }
0x3a: {  	[tilespmem:s18+$0x60] =	vst v1;
	s18 =	sshra.s32 s19, $0x2;
	s19 =	sadd.s32 $0x200, s19  }
0x3b: {  	[tilespmem:s18+$0x70] =	vst v1  }
0x3c: {  	[tilespmem:s18+$0x0] =	vst v1  }
0x3d: {  	[tilespmem:s18+$0x10] =	vst v1  }
0x3e: {  	[tilespmem:s18+$0x20] =	vst v1  }
0x3f: {  	[tilespmem:s18+$0x30] =	vst v1  }
0x40: {  	[tilespmem:s18+$0x40] =	vst v1  }
0x41: {  	[tilespmem:s18+$0x50] =	vst v1  }
0x42: {  	[tilespmem:s18+$0x60] =	vst v1;
	s30 =	simm.s32 $0x0  }
0x43: {  	[tilespmem:s13], [sflag:$0x1] =	stream.linear.gather [hbm4b:s9+s30], $0x1400, $0x38;
	[tilespmem:$0x19400] =	vst v63  }
0x44: {  	_ =	swait.ge [sflag:s12], $0x1400  }
0x45: {  	[sflag:s12] =	ssyncset.done $0x0  }
0x46: {  	[sflag:s12] =	ssyncadd.s32 $0xFFFFEC00  }
0x47: {  	s31 =	simm.s32 $0x4000;
	[bflag:$0x0] =	sbarrier.arrive $0xFFFF  }
0x48: {  	[spmem:s2] =	stream.indirect.scatter.add.f32 [tilespmem:s3], [sflag:$0x1], $0x80, s31, s14, $0xb8;
	[tilespmem:$0x19400] =	vst v63  }
0x49: {  	s18 =	simm.s32 $0x200;
	_ =	swait.ge [sflag:s12], $0x4000  }
.LBB2_6:
0x4a: {  	s19 =	sshra.s32 s18, $0x2;
	[sflag:s12] =	ssyncset.done $0x0;
	p0 =	sne.s32 s18, $0x4E00  }
.Ltmp2:
0x4b: {  	s19 =	sadd.s32 $0x4000, s19;
	[sflag:s12] =	ssyncadd.s32 $0xFFFFC000;
	(pc) =	sbr.rel @p0 .LBB2_6-.Ltmp2, $3  }
0x4c: {  	[spmem:s2] =	stream.indirect.scatter.add.f32 [tilespmem:s3], [sflag:$0x1], $0x80, s19, s14, $0xb8;
	[tilespmem:$0x19400] =	vst v63  }
0x4d: {  	s18 =	sadd.s32 $0x200, s18;
	_ =	sdelay $0x1  }
0x4e: {  	_ =	swait.ge [sflag:s12], $0x4000  }
0x4f: {  	[sflag:s12] =	ssyncset.done $0x0;
	s17 =	sadd.s32 $0x1, s17  }
0x50: {  	[sflag:s12] =	ssyncadd.s32 $0xFFFFC000;
	p0 =	sne.s32 s17, s11  }
.Ltmp3:
0x51: {  	[bflag:$0x0] =	sbarrier.arrive $0xFFFF;
	(pc) =	sbr.rel @p0 .LBB2_1-.Ltmp3, $4  }
0x52: {  	[hbm:s10], [sflag:s15] =	dma.local [spmem:s16], $0x2800  }
0x53: {  	_ =	swait.ge [sflag:s12], $0x2800  }
0x54: {  	[sflag:s12] =	ssyncset.done $0x0  }
0x55: {  	[sflag:s12] =	ssyncadd.s32 $0xFFFFD800  }
0x56: {  	_ =	sfence.sel $0x180000  }
0x57: {  	[bflag:$0x0] =	sbarrier.arrive $0xFFFF  }
0x58: {  	p0 =	sne.s32 s0, $0x0;
	_ =	strace $0x90000047  }
0x59: {  	s0 =	sadd.s32 @!p0 $0x100000, s1;
	[bflag:$0x2] =	sbarrier.arrive $0xFFFF  }
0x5a: {  	[sflag:s0] =	ssyncadd.tile.s32 @!p0 $0x1;
	_ =	shalt  }
.Lfunc_end2:
_tile_overlayer_lowered:
.L_overlay_start_2:
0x5b: {  	(tag) =	ssettag $0x2  }
0x5c: {  	s0 =	rddreg [dreg:$0x0];
	s2 =	stileid.u32  }
0x5d: {  	s1 =	rddreg [dreg:$0x1];
	p0 =	sne.s32 s2, $0x0  }
0x5e: {  	s3 =	rddreg [dreg:$0x2];
	[bflag:$0x3] =	sbarrier.arrive $0xFFFF;
	s2 =	simm.s32 @!p0 $0x1C01  }
0x5f: {  	[timem:s3], [sflag:s2] =	dma.local @!p0 [hbm:s0], s1  }
0x60: {  	s0 =	simm.s32 @!p0 $0x1  }
0x61: {  	_ =	swait.ge @!p0 [sflag:s0], s1  }
0x62: {  	s1 =	ssub.s32 @!p0 $0x0, s1;
	[sflag:s0] =	ssyncset.done @!p0 $0x0  }
0x63: {  	[sflag:s0] =	ssyncadd.s32 @!p0 s1  }
0x64: {  	[bflag:$0x3] =	sbarrier.arrive $0xFFFF  }
0x65: {  	_ =	shalt  }

</sc_bundles>
